<compile_context>
chip_gen: v7x
topology: tpu7x:2x2x1
jax: 0.10.2.dev20260603
libtpu: 0.0.44.dev20260713+nightly
codegen_flags: <defaults>
</compile_context>

<pallas_src>
import functools

import jax
import jax.numpy as jnp
from jax import lax
from jax.experimental import pallas as pl
from jax.experimental.pallas import tpu as pltpu
from jax.experimental.pallas import tpu_sc as plsc

_HIDDEN = 1024
_BATCH = 4
_SEQ = 8192
_NC = 2
_NS = 16
_NW = _NC * _NS
_TPW = (_BATCH * _SEQ) // _NW
_C = 16
_NCHUNK = _TPW // _C
_NB = 3
_L = 16


def _emb_body(wids_hbm, pids_hbm, wtab_hbm, ptab_hbm, out_hbm,
              idxw_v, idxp_v, wbuf, pbuf, *sems):
    wsems = sems[0:_NB]
    psems = sems[_NB:2 * _NB]
    ssems = sems[2 * _NB:3 * _NB]

    wid = lax.axis_index("s") * _NC + lax.axis_index("c")
    b = wid & 3
    s0 = (wid >> 2) * _TPW
    pltpu.sync_copy(wids_hbm.at[b, pl.ds(s0, _TPW)], idxw_v)
    pltpu.sync_copy(pids_hbm.at[b, pl.ds(s0, _TPW)], idxp_v)

    def _start(g, slot):
        pltpu.async_copy(wtab_hbm.at[idxw_v.at[pl.ds(g * _C, _C)]],
                         wbuf.at[slot], wsems[slot])
        pltpu.async_copy(ptab_hbm.at[idxp_v.at[pl.ds(g * _C, _C)]],
                         pbuf.at[slot], psems[slot])

    def _wait(g, slot):
        pltpu.make_async_copy(wtab_hbm.at[idxw_v.at[pl.ds(g * _C, _C)]],
                              wbuf.at[slot], wsems[slot]).wait()
        pltpu.make_async_copy(ptab_hbm.at[idxp_v.at[pl.ds(g * _C, _C)]],
                              pbuf.at[slot], psems[slot]).wait()

    def _store(g, slot):
        return pltpu.async_copy(wbuf.at[slot],
                                out_hbm.at[pl.ds(s0 + g * _C, _C), b],
                                ssems[slot])

    def _wait_store(g, slot):
        pltpu.make_async_copy(wbuf.at[slot],
                              out_hbm.at[pl.ds(s0 + g * _C, _C), b],
                              ssems[slot]).wait()

    def _chunk(g, slot):
        @pl.when(g + _NB - 1 < _NCHUNK)
        def _():
            _start(g + _NB - 1, (slot + _NB - 1) % _NB)

        _wait(g, slot)

    for g in range(_NB - 1):
        _start(g, g)

    def _triple(t, carry):
        for k in range(_NB):
            _chunk(_NB * t + k, k)
        return carry

    _NTR = (_NCHUNK - 1) // _NB
    lax.fori_loop(0, _NTR, _triple, 0)
    for g in range(_NB * _NTR, _NCHUNK):
        _chunk(g, g % _NB)


@functools.partial(
    pl.kernel,
    out_type=jax.ShapeDtypeStruct((_SEQ, _BATCH, _HIDDEN), jnp.float32),
    mesh=plsc.VectorSubcoreMesh(core_axis_name="c", subcore_axis_name="s",
                                num_cores=_NC, num_subcores=_NS),
    scratch_types=[
        pltpu.VMEM((_TPW,), jnp.int32),
        pltpu.VMEM((_TPW,), jnp.int32),
        pltpu.VMEM((_NB, _C, _HIDDEN), jnp.float32),
        pltpu.VMEM((_NB, _C, _HIDDEN), jnp.float32),
    ] + [pltpu.SemaphoreType.DMA] * (3 * _NB),
)
def _emb_kernel(wids_hbm, pids_hbm, wtab_hbm, ptab_hbm, out_hbm,
                idxw_v, idxp_v, wbuf, pbuf, *sems):
    _emb_body(wids_hbm, pids_hbm, wtab_hbm, ptab_hbm, out_hbm,
              idxw_v, idxp_v, wbuf, pbuf, *sems)


def kernel(input_ids, position_ids, word_table, pos_table):
    return _emb_kernel(input_ids, position_ids, word_table, pos_table)

# --- scband reference (transcript-rebuilt; emitter-appended) ---
"""Pipeline reference for scband-gptmodel-pre-process-module-29119878267308 (READ-ONLY COPY).

The authoritative reference and input builder live on the scoring server;
editing this copy changes nothing except your own understanding.
"""

import jax, jax.numpy as jnp
import numpy as np

VOCAB = 50304
HIDDEN = 1024
MAX_SEQ = 8192
BATCH = 4
SEQ = 8192

def setup_inputs(seed: int = 0) -> dict:
    key = jax.random.key(seed)
    k1, k2, k3, k4 = jax.random.split(key, 4)
    input_ids = jax.random.randint(k1, (BATCH, SEQ), 0, VOCAB, dtype=jnp.int64 if jax.config.jax_enable_x64 else jnp.int32)
    position_ids = jax.random.randint(k2, (BATCH, SEQ), 0, MAX_SEQ, dtype=jnp.int64 if jax.config.jax_enable_x64 else jnp.int32)
    word_table = jax.random.normal(k3, (VOCAB, HIDDEN), dtype=jnp.float32) * 0.02
    pos_table = jax.random.normal(k4, (MAX_SEQ, HIDDEN), dtype=jnp.float32) * 0.02
    return {"input_ids": input_ids, "position_ids": position_ids, "word_table": word_table, "pos_table": pos_table}

def reference(input_ids, position_ids, word_table, pos_table):
    # LanguageModelEmbedding: word embedding gather + learned position embedding gather
    word_emb = jnp.take(word_table, input_ids, axis=0)      # [b, s, h]
    pos_emb = jnp.take(pos_table, position_ids, axis=0)     # [b, s, h]
    emb = word_emb + pos_emb                                 # [b, s, h]
    # Megatron convention: transpose to [s, b, h]
    decoder_input = jnp.transpose(emb, (1, 0, 2))
    # cast to params_dtype (float32 here -> no-op, kept for fidelity)
    decoder_input = decoder_input.astype(jnp.float32)
    return decoder_input

if __name__ == "__main__":
    import jax
    _d = setup_inputs()
    print(jax.jit(kernel)(*tuple(_d.values())))

</pallas_src>

<mosaic_0001>
#map = affine_map<(d0, d1) -> (0, 0)>
#map1 = affine_map<(d0, d1) -> (0, 0, 0)>
module attributes {stable_mosaic.version = 14 : i64} {
  func.func @_emb_kernel(%arg0: i32, %arg1: i32, %arg2: memref<4x8192xi32, #tpu.memory_space<hbm>>, %arg3: memref<4x8192xi32, #tpu.memory_space<hbm>>, %arg4: memref<50304x1024xf32, #tpu.memory_space<hbm>>, %arg5: memref<8192x1024xf32, #tpu.memory_space<hbm>>, %arg6: memref<8192x4x1024xf32, #tpu.memory_space<hbm>>, %arg7: memref<1024xi32, #tpu.memory_space<vmem>>, %arg8: memref<1024xi32, #tpu.memory_space<vmem>>, %arg9: memref<3x16x1024xf32, #tpu.memory_space<vmem>>, %arg10: memref<3x16x1024xf32, #tpu.memory_space<vmem>>, %arg11: memref<!tpu.dma_semaphore, #tpu.memory_space<semaphore_mem>>, %arg12: memref<!tpu.dma_semaphore, #tpu.memory_space<semaphore_mem>>, %arg13: memref<!tpu.dma_semaphore, #tpu.memory_space<semaphore_mem>>, %arg14: memref<!tpu.dma_semaphore, #tpu.memory_space<semaphore_mem>>, %arg15: memref<!tpu.dma_semaphore, #tpu.memory_space<semaphore_mem>>, %arg16: memref<!tpu.dma_semaphore, #tpu.memory_space<semaphore_mem>>, %arg17: memref<!tpu.dma_semaphore, #tpu.memory_space<semaphore_mem>>, %arg18: memref<!tpu.dma_semaphore, #tpu.memory_space<semaphore_mem>>, %arg19: memref<!tpu.dma_semaphore, #tpu.memory_space<semaphore_mem>>) attributes {dimension_semantics = [#tpu.dimension_semantics<core_parallel>, #tpu.dimension_semantics<subcore_parallel>], iteration_bounds = array<i64: 2, 16>, scalar_prefetch = 0 : i64, scratch_operands = 13 : i64, tpu.core_type = #tpu.core_type<sc_vector_subcore>, window_params = [{transform_indices = #map}, {transform_indices = #map}, {transform_indices = #map}, {transform_indices = #map}, {transform_indices = #map1}]} {
    %mul3A = arith.constant 2 : i32
    %mul3A_0 = arith.muli %arg1, %mul3A : i32
    %add3A = arith.addi %mul3A_0, %arg0 : i32
    %and3A = arith.constant 3 : i32
    %and3A_1 = arith.andi %add3A, %and3A : i32
    %shift_right_arithmetic3A = arith.constant 2 : i32
    %shift_right_arithmetic3A_2 = arith.shrsi %add3A, %shift_right_arithmetic3A : i32
    %mul3A_3 = arith.constant 1024 : i32
    %mul3A_4 = arith.muli %shift_right_arithmetic3A_2, %mul3A_3 : i32
    "tpu.region"() ({
      %run_scoped3A = tpu.sem_alloc : memref<!tpu.dma_semaphore, #tpu.memory_space<semaphore_mem>>
      %dma_start3A_68 = tpu.memref_slice %arg2[%and3A_1, %mul3A_4] : memref<4x8192xi32, #tpu.memory_space<hbm>> -> memref<1x1024xi32, #tpu.memory_space<hbm>>
      %dma_start3A_69 = tpu.memref_squeeze %dma_start3A_68 : memref<1x1024xi32, #tpu.memory_space<hbm>> -> memref<1024xi32, #tpu.memory_space<hbm>>
      %dma_start3A_70 = tpu.memref_slice %arg2[%and3A_1, %mul3A_4] : memref<4x8192xi32, #tpu.memory_space<hbm>> -> memref<1x1024xi32, #tpu.memory_space<hbm>>
      %dma_start3A_71 = tpu.memref_squeeze %dma_start3A_70 : memref<1x1024xi32, #tpu.memory_space<hbm>> -> memref<1024xi32, #tpu.memory_space<hbm>>
      tpu.enqueue_dma source(%dma_start3A_71 : memref<1024xi32, #tpu.memory_space<hbm>>) target(%arg7 : memref<1024xi32, #tpu.memory_space<vmem>>) target_semaphore(%run_scoped3A : memref<!tpu.dma_semaphore, #tpu.memory_space<semaphore_mem>>)
      %dma_wait3A_72 = tpu.memref_slice %arg2[%and3A_1, %mul3A_4] : memref<4x8192xi32, #tpu.memory_space<hbm>> -> memref<1x1024xi32, #tpu.memory_space<hbm>>
      %dma_wait3A_73 = tpu.memref_squeeze %dma_wait3A_72 : memref<1x1024xi32, #tpu.memory_space<hbm>> -> memref<1024xi32, #tpu.memory_space<hbm>>
      %dma_wait3A_74 = tpu.memref_slice %arg2[%and3A_1, %mul3A_4] : memref<4x8192xi32, #tpu.memory_space<hbm>> -> memref<1x1024xi32, #tpu.memory_space<hbm>>
      %dma_wait3A_75 = tpu.memref_squeeze %dma_wait3A_74 : memref<1x1024xi32, #tpu.memory_space<hbm>> -> memref<1024xi32, #tpu.memory_space<hbm>>
      tpu.wait_dma2 semaphore(%run_scoped3A : memref<!tpu.dma_semaphore, #tpu.memory_space<semaphore_mem>>) src(%dma_wait3A_75 : memref<1024xi32, #tpu.memory_space<hbm>>) dst(%arg7 : memref<1024xi32, #tpu.memory_space<vmem>>)
      tpu.yield
    }) : () -> ()
    "tpu.region"() ({
      %run_scoped3A = tpu.sem_alloc : memref<!tpu.dma_semaphore, #tpu.memory_space<semaphore_mem>>
      %dma_start3A_68 = tpu.memref_slice %arg3[%and3A_1, %mul3A_4] : memref<4x8192xi32, #tpu.memory_space<hbm>> -> memref<1x1024xi32, #tpu.memory_space<hbm>>
      %dma_start3A_69 = tpu.memref_squeeze %dma_start3A_68 : memref<1x1024xi32, #tpu.memory_space<hbm>> -> memref<1024xi32, #tpu.memory_space<hbm>>
      %dma_start3A_70 = tpu.memref_slice %arg3[%and3A_1, %mul3A_4] : memref<4x8192xi32, #tpu.memory_space<hbm>> -> memref<1x1024xi32, #tpu.memory_space<hbm>>
      %dma_start3A_71 = tpu.memref_squeeze %dma_start3A_70 : memref<1x1024xi32, #tpu.memory_space<hbm>> -> memref<1024xi32, #tpu.memory_space<hbm>>
      tpu.enqueue_dma source(%dma_start3A_71 : memref<1024xi32, #tpu.memory_space<hbm>>) target(%arg8 : memref<1024xi32, #tpu.memory_space<vmem>>) target_semaphore(%run_scoped3A : memref<!tpu.dma_semaphore, #tpu.memory_space<semaphore_mem>>)
      %dma_wait3A_72 = tpu.memref_slice %arg3[%and3A_1, %mul3A_4] : memref<4x8192xi32, #tpu.memory_space<hbm>> -> memref<1x1024xi32, #tpu.memory_space<hbm>>
      %dma_wait3A_73 = tpu.memref_squeeze %dma_wait3A_72 : memref<1x1024xi32, #tpu.memory_space<hbm>> -> memref<1024xi32, #tpu.memory_space<hbm>>
      %dma_wait3A_74 = tpu.memref_slice %arg3[%and3A_1, %mul3A_4] : memref<4x8192xi32, #tpu.memory_space<hbm>> -> memref<1x1024xi32, #tpu.memory_space<hbm>>
      %dma_wait3A_75 = tpu.memref_squeeze %dma_wait3A_74 : memref<1x1024xi32, #tpu.memory_space<hbm>> -> memref<1024xi32, #tpu.memory_space<hbm>>
      tpu.wait_dma2 semaphore(%run_scoped3A : memref<!tpu.dma_semaphore, #tpu.memory_space<semaphore_mem>>) src(%dma_wait3A_75 : memref<1024xi32, #tpu.memory_space<hbm>>) dst(%arg8 : memref<1024xi32, #tpu.memory_space<vmem>>)
      tpu.yield
    }) : () -> ()
    %dma_start3A = arith.constant 0 : i32
    %dma_start3A_5 = arith.constant 0 : i32
    %dma_start3A_6 = arith.constant 0 : i32
    %dma_start3A_7 = tpu.memref_slice %arg9[%dma_start3A, %dma_start3A_5, %dma_start3A_6] : memref<3x16x1024xf32, #tpu.memory_space<vmem>> -> memref<1x16x1024xf32, #tpu.memory_space<vmem>>
    %dma_start3A_8 = tpu.memref_squeeze %dma_start3A_7 : memref<1x16x1024xf32, #tpu.memory_space<vmem>> -> memref<16x1024xf32, #tpu.memory_space<vmem>>
    %dma_start3A_9 = arith.constant 0 : i32
    %dma_start3A_10 = tpu.memref_slice %arg7[%dma_start3A_9] : memref<1024xi32, #tpu.memory_space<vmem>> -> memref<16xi32, #tpu.memory_space<vmem>>
    %dma_start3A_11 = arith.constant 0 : i32
    %dma_start3A_12 = arith.constant 0 : i32
    %dma_start3A_13 = tpu.memref_slice %arg4[%dma_start3A_11, %dma_start3A_12] : memref<50304x1024xf32, #tpu.memory_space<hbm>> -> memref<50304x1024xf32, #tpu.memory_space<hbm>>
    tpu.enqueue_indirect_dma source(%dma_start3A_13 : memref<50304x1024xf32, #tpu.memory_space<hbm>>) target(%dma_start3A_8 : memref<16x1024xf32, #tpu.memory_space<vmem>>) offsets(%dma_start3A_10 : memref<16xi32, #tpu.memory_space<vmem>>) semaphore(%arg11 : memref<!tpu.dma_semaphore, #tpu.memory_space<semaphore_mem>>)
    %dma_start3A_14 = arith.constant 0 : i32
    %dma_start3A_15 = arith.constant 0 : i32
    %dma_start3A_16 = arith.constant 0 : i32
    %dma_start3A_17 = tpu.memref_slice %arg10[%dma_start3A_14, %dma_start3A_15, %dma_start3A_16] : memref<3x16x1024xf32, #tpu.memory_space<vmem>> -> memref<1x16x1024xf32, #tpu.memory_space<vmem>>
    %dma_start3A_18 = tpu.memref_squeeze %dma_start3A_17 : memref<1x16x1024xf32, #tpu.memory_space<vmem>> -> memref<16x1024xf32, #tpu.memory_space<vmem>>
    %dma_start3A_19 = arith.constant 0 : i32
    %dma_start3A_20 = tpu.memref_slice %arg8[%dma_start3A_19] : memref<1024xi32, #tpu.memory_space<vmem>> -> memref<16xi32, #tpu.memory_space<vmem>>
    %dma_start3A_21 = arith.constant 0 : i32
    %dma_start3A_22 = arith.constant 0 : i32
    %dma_start3A_23 = tpu.memref_slice %arg5[%dma_start3A_21, %dma_start3A_22] : memref<8192x1024xf32, #tpu.memory_space<hbm>> -> memref<8192x1024xf32, #tpu.memory_space<hbm>>
    tpu.enqueue_indirect_dma source(%dma_start3A_23 : memref<8192x1024xf32, #tpu.memory_space<hbm>>) target(%dma_start3A_18 : memref<16x1024xf32, #tpu.memory_space<vmem>>) offsets(%dma_start3A_20 : memref<16xi32, #tpu.memory_space<vmem>>) semaphore(%arg14 : memref<!tpu.dma_semaphore, #tpu.memory_space<semaphore_mem>>)
    %dma_start3A_24 = arith.constant 1 : i32
    %dma_start3A_25 = arith.constant 0 : i32
    %dma_start3A_26 = arith.constant 0 : i32
    %dma_start3A_27 = tpu.memref_slice %arg9[%dma_start3A_24, %dma_start3A_25, %dma_start3A_26] : memref<3x16x1024xf32, #tpu.memory_space<vmem>> -> memref<1x16x1024xf32, #tpu.memory_space<vmem>>
    %dma_start3A_28 = tpu.memref_squeeze %dma_start3A_27 : memref<1x16x1024xf32, #tpu.memory_space<vmem>> -> memref<16x1024xf32, #tpu.memory_space<vmem>>
    %dma_start3A_29 = arith.constant 16 : i32
    %dma_start3A_30 = tpu.memref_slice %arg7[%dma_start3A_29] : memref<1024xi32, #tpu.memory_space<vmem>> -> memref<16xi32, #tpu.memory_space<vmem>>
    %dma_start3A_31 = arith.constant 0 : i32
    %dma_start3A_32 = arith.constant 0 : i32
    %dma_start3A_33 = tpu.memref_slice %arg4[%dma_start3A_31, %dma_start3A_32] : memref<50304x1024xf32, #tpu.memory_space<hbm>> -> memref<50304x1024xf32, #tpu.memory_space<hbm>>
    tpu.enqueue_indirect_dma source(%dma_start3A_33 : memref<50304x1024xf32, #tpu.memory_space<hbm>>) target(%dma_start3A_28 : memref<16x1024xf32, #tpu.memory_space<vmem>>) offsets(%dma_start3A_30 : memref<16xi32, #tpu.memory_space<vmem>>) semaphore(%arg12 : memref<!tpu.dma_semaphore, #tpu.memory_space<semaphore_mem>>)
    %dma_start3A_34 = arith.constant 1 : i32
    %dma_start3A_35 = arith.constant 0 : i32
    %dma_start3A_36 = arith.constant 0 : i32
    %dma_start3A_37 = tpu.memref_slice %arg10[%dma_start3A_34, %dma_start3A_35, %dma_start3A_36] : memref<3x16x1024xf32, #tpu.memory_space<vmem>> -> memref<1x16x1024xf32, #tpu.memory_space<vmem>>
    %dma_start3A_38 = tpu.memref_squeeze %dma_start3A_37 : memref<1x16x1024xf32, #tpu.memory_space<vmem>> -> memref<16x1024xf32, #tpu.memory_space<vmem>>
    %dma_start3A_39 = arith.constant 16 : i32
    %dma_start3A_40 = tpu.memref_slice %arg8[%dma_start3A_39] : memref<1024xi32, #tpu.memory_space<vmem>> -> memref<16xi32, #tpu.memory_space<vmem>>
    %dma_start3A_41 = arith.constant 0 : i32
    %dma_start3A_42 = arith.constant 0 : i32
    %dma_start3A_43 = tpu.memref_slice %arg5[%dma_start3A_41, %dma_start3A_42] : memref<8192x1024xf32, #tpu.memory_space<hbm>> -> memref<8192x1024xf32, #tpu.memory_space<hbm>>
    tpu.enqueue_indirect_dma source(%dma_start3A_43 : memref<8192x1024xf32, #tpu.memory_space<hbm>>) target(%dma_start3A_38 : memref<16x1024xf32, #tpu.memory_space<vmem>>) offsets(%dma_start3A_40 : memref<16xi32, #tpu.memory_space<vmem>>) semaphore(%arg15 : memref<!tpu.dma_semaphore, #tpu.memory_space<semaphore_mem>>)
    %scan3A = arith.constant 0 : i32
    %scan3A_44 = arith.constant 0 : i32
    %scan3A_45 = arith.constant 21 : i32
    %scan3A_46 = arith.addi %scan3A_44, %scan3A_45 : i32
    %scan3A_47 = arith.constant 1 : i32
    scf.for %scan3A_68 = %scan3A_44 to %scan3A_46 step %scan3A_47  : i32 {
      %mul3A_69 = arith.constant 3 : i32
      %mul3A_70 = arith.muli %mul3A_69, %scan3A_68 : i32
      %add3A_71 = arith.constant 0 : i32
      %add3A_72 = arith.addi %mul3A_70, %add3A_71 : i32
      %add3A_73 = arith.constant 3 : i32
      %add3A_74 = arith.addi %add3A_72, %add3A_73 : i32
      %sub3A = arith.constant 1 : i32
      %sub3A_75 = arith.subi %add3A_74, %sub3A : i32
      %lt3A = arith.constant 64 : i32
      %lt3A_76 = arith.cmpi slt, %sub3A_75, %lt3A : i32
      %convert_element_type3A = arith.extui %lt3A_76 : i1 to i32
      %cond3A = arith.constant 0 : i32
      %cond3A_77 = arith.cmpi ne, %convert_element_type3A, %cond3A : i32
      scf.if %cond3A_77 {
        %add3A_170 = arith.constant 3 : i32
        %add3A_171 = arith.addi %add3A_72, %add3A_170 : i32
        %sub3A_172 = arith.constant 1 : i32
        %sub3A_173 = arith.subi %add3A_171, %sub3A_172 : i32
        %mul3A_174 = arith.constant 16 : i32
        %mul3A_175 = arith.muli %sub3A_173, %mul3A_174 : i32
        %dma_start3A_176 = arith.constant 2 : i32
        %dma_start3A_177 = arith.constant 0 : i32
        %dma_start3A_178 = arith.constant 0 : i32
        %dma_start3A_179 = tpu.memref_slice %arg9[%dma_start3A_176, %dma_start3A_177, %dma_start3A_178] : memref<3x16x1024xf32, #tpu.memory_space<vmem>> -> memref<1x16x1024xf32, #tpu.memory_space<vmem>>
        %dma_start3A_180 = tpu.memref_squeeze %dma_start3A_179 : memref<1x16x1024xf32, #tpu.memory_space<vmem>> -> memref<16x1024xf32, #tpu.memory_space<vmem>>
        %dma_start3A_181 = tpu.memref_slice %arg7[%mul3A_175] : memref<1024xi32, #tpu.memory_space<vmem>> -> memref<16xi32, #tpu.memory_space<vmem>>
        %dma_start3A_182 = arith.constant 0 : i32
        %dma_start3A_183 = arith.constant 0 : i32
        %dma_start3A_184 = tpu.memref_slice %arg4[%dma_start3A_182, %dma_start3A_183] : memref<50304x1024xf32, #tpu.memory_space<hbm>> -> memref<50304x1024xf32, #tpu.memory_space<hbm>>
        tpu.enqueue_indirect_dma source(%dma_start3A_184 : memref<50304x1024xf32, #tpu.memory_space<hbm>>) target(%dma_start3A_180 : memref<16x1024xf32, #tpu.memory_space<vmem>>) offsets(%dma_start3A_181 : memref<16xi32, #tpu.memory_space<vmem>>) semaphore(%arg13 : memref<!tpu.dma_semaphore, #tpu.memory_space<semaphore_mem>>)
        %mul3A_185 = arith.constant 16 : i32
        %mul3A_186 = arith.muli %sub3A_173, %mul3A_185 : i32
        %dma_start3A_187 = arith.constant 2 : i32
        %dma_start3A_188 = arith.constant 0 : i32
        %dma_start3A_189 = arith.constant 0 : i32
        %dma_start3A_190 = tpu.memref_slice %arg10[%dma_start3A_187, %dma_start3A_188, %dma_start3A_189] : memref<3x16x1024xf32, #tpu.memory_space<vmem>> -> memref<1x16x1024xf32, #tpu.memory_space<vmem>>
        %dma_start3A_191 = tpu.memref_squeeze %dma_start3A_190 : memref<1x16x1024xf32, #tpu.memory_space<vmem>> -> memref<16x1024xf32, #tpu.memory_space<vmem>>
        %dma_start3A_192 = tpu.memref_slice %arg8[%mul3A_186] : memref<1024xi32, #tpu.memory_space<vmem>> -> memref<16xi32, #tpu.memory_space<vmem>>
        %dma_start3A_193 = arith.constant 0 : i32
        %dma_start3A_194 = arith.constant 0 : i32
        %dma_start3A_195 = tpu.memref_slice %arg5[%dma_start3A_193, %dma_start3A_194] : memref<8192x1024xf32, #tpu.memory_space<hbm>> -> memref<8192x1024xf32, #tpu.memory_space<hbm>>
        tpu.enqueue_indirect_dma source(%dma_start3A_195 : memref<8192x1024xf32, #tpu.memory_space<hbm>>) target(%dma_start3A_191 : memref<16x1024xf32, #tpu.memory_space<vmem>>) offsets(%dma_start3A_192 : memref<16xi32, #tpu.memory_space<vmem>>) semaphore(%arg16 : memref<!tpu.dma_semaphore, #tpu.memory_space<semaphore_mem>>)
      } else {
      }
      %mul3A_78 = arith.constant 16 : i32
      %mul3A_79 = arith.muli %add3A_72, %mul3A_78 : i32
      %dma_wait3A_80 = arith.constant 0 : i32
      %dma_wait3A_81 = arith.constant 0 : i32
      %dma_wait3A_82 = arith.constant 0 : i32
      %dma_wait3A_83 = tpu.memref_slice %arg9[%dma_wait3A_80, %dma_wait3A_81, %dma_wait3A_82] : memref<3x16x1024xf32, #tpu.memory_space<vmem>> -> memref<1x16x1024xf32, #tpu.memory_space<vmem>>
      %dma_wait3A_84 = tpu.memref_squeeze %dma_wait3A_83 : memref<1x16x1024xf32, #tpu.memory_space<vmem>> -> memref<16x1024xf32, #tpu.memory_space<vmem>>
      %dma_wait3A_85 = tpu.memref_slice %arg7[%mul3A_79] : memref<1024xi32, #tpu.memory_space<vmem>> -> memref<16xi32, #tpu.memory_space<vmem>>
      %dma_wait3A_86 = arith.constant 0 : i32
      %dma_wait3A_87 = arith.constant 0 : i32
      %dma_wait3A_88 = tpu.memref_slice %arg4[%dma_wait3A_86, %dma_wait3A_87] : memref<50304x1024xf32, #tpu.memory_space<hbm>> -> memref<50304x1024xf32, #tpu.memory_space<hbm>>
      tpu.wait_indirect_dma semaphore(%arg11 : memref<!tpu.dma_semaphore, #tpu.memory_space<semaphore_mem>>) src(%dma_wait3A_88 : memref<50304x1024xf32, #tpu.memory_space<hbm>>) dst(%dma_wait3A_84 : memref<16x1024xf32, #tpu.memory_space<vmem>>)
      %mul3A_89 = arith.constant 16 : i32
      %mul3A_90 = arith.muli %add3A_72, %mul3A_89 : i32
      %dma_wait3A_91 = arith.constant 0 : i32
      %dma_wait3A_92 = arith.constant 0 : i32
      %dma_wait3A_93 = arith.constant 0 : i32
      %dma_wait3A_94 = tpu.memref_slice %arg10[%dma_wait3A_91, %dma_wait3A_92, %dma_wait3A_93] : memref<3x16x1024xf32, #tpu.memory_space<vmem>> -> memref<1x16x1024xf32, #tpu.memory_space<vmem>>
      %dma_wait3A_95 = tpu.memref_squeeze %dma_wait3A_94 : memref<1x16x1024xf32, #tpu.memory_space<vmem>> -> memref<16x1024xf32, #tpu.memory_space<vmem>>
      %dma_wait3A_96 = tpu.memref_slice %arg8[%mul3A_90] : memref<1024xi32, #tpu.memory_space<vmem>> -> memref<16xi32, #tpu.memory_space<vmem>>
      %dma_wait3A_97 = arith.constant 0 : i32
      %dma_wait3A_98 = arith.constant 0 : i32
      %dma_wait3A_99 = tpu.memref_slice %arg5[%dma_wait3A_97, %dma_wait3A_98] : memref<8192x1024xf32, #tpu.memory_space<hbm>> -> memref<8192x1024xf32, #tpu.memory_space<hbm>>
      tpu.wait_indirect_dma semaphore(%arg14 : memref<!tpu.dma_semaphore, #tpu.memory_space<semaphore_mem>>) src(%dma_wait3A_99 : memref<8192x1024xf32, #tpu.memory_space<hbm>>) dst(%dma_wait3A_95 : memref<16x1024xf32, #tpu.memory_space<vmem>>)
      %mul3A_100 = arith.constant 3 : i32
      %mul3A_101 = arith.muli %mul3A_100, %scan3A_68 : i32
      %add3A_102 = arith.constant 1 : i32
      %add3A_103 = arith.addi %mul3A_101, %add3A_102 : i32
      %add3A_104 = arith.constant 3 : i32
      %add3A_105 = arith.addi %add3A_103, %add3A_104 : i32
      %sub3A_106 = arith.constant 1 : i32
      %sub3A_107 = arith.subi %add3A_105, %sub3A_106 : i32
      %lt3A_108 = arith.constant 64 : i32
      %lt3A_109 = arith.cmpi slt, %sub3A_107, %lt3A_108 : i32
      %convert_element_type3A_110 = arith.extui %lt3A_109 : i1 to i32
      %cond3A_111 = arith.constant 0 : i32
      %cond3A_112 = arith.cmpi ne, %convert_element_type3A_110, %cond3A_111 : i32
      scf.if %cond3A_112 {
        %add3A_170 = arith.constant 3 : i32
        %add3A_171 = arith.addi %add3A_103, %add3A_170 : i32
        %sub3A_172 = arith.constant 1 : i32
        %sub3A_173 = arith.subi %add3A_171, %sub3A_172 : i32
        %mul3A_174 = arith.constant 16 : i32
        %mul3A_175 = arith.muli %sub3A_173, %mul3A_174 : i32
        %dma_start3A_176 = arith.constant 0 : i32
        %dma_start3A_177 = arith.constant 0 : i32
        %dma_start3A_178 = arith.constant 0 : i32
        %dma_start3A_179 = tpu.memref_slice %arg9[%dma_start3A_176, %dma_start3A_177, %dma_start3A_178] : memref<3x16x1024xf32, #tpu.memory_space<vmem>> -> memref<1x16x1024xf32, #tpu.memory_space<vmem>>
        %dma_start3A_180 = tpu.memref_squeeze %dma_start3A_179 : memref<1x16x1024xf32, #tpu.memory_space<vmem>> -> memref<16x1024xf32, #tpu.memory_space<vmem>>
        %dma_start3A_181 = tpu.memref_slice %arg7[%mul3A_175] : memref<1024xi32, #tpu.memory_space<vmem>> -> memref<16xi32, #tpu.memory_space<vmem>>
        %dma_start3A_182 = arith.constant 0 : i32
        %dma_start3A_183 = arith.constant 0 : i32
        %dma_start3A_184 = tpu.memref_slice %arg4[%dma_start3A_182, %dma_start3A_183] : memref<50304x1024xf32, #tpu.memory_space<hbm>> -> memref<50304x1024xf32, #tpu.memory_space<hbm>>
        tpu.enqueue_indirect_dma source(%dma_start3A_184 : memref<50304x1024xf32, #tpu.memory_space<hbm>>) target(%dma_start3A_180 : memref<16x1024xf32, #tpu.memory_space<vmem>>) offsets(%dma_start3A_181 : memref<16xi32, #tpu.memory_space<vmem>>) semaphore(%arg11 : memref<!tpu.dma_semaphore, #tpu.memory_space<semaphore_mem>>)
        %mul3A_185 = arith.constant 16 : i32
        %mul3A_186 = arith.muli %sub3A_173, %mul3A_185 : i32
        %dma_start3A_187 = arith.constant 0 : i32
        %dma_start3A_188 = arith.constant 0 : i32
        %dma_start3A_189 = arith.constant 0 : i32
        %dma_start3A_190 = tpu.memref_slice %arg10[%dma_start3A_187, %dma_start3A_188, %dma_start3A_189] : memref<3x16x1024xf32, #tpu.memory_space<vmem>> -> memref<1x16x1024xf32, #tpu.memory_space<vmem>>
        %dma_start3A_191 = tpu.memref_squeeze %dma_start3A_190 : memref<1x16x1024xf32, #tpu.memory_space<vmem>> -> memref<16x1024xf32, #tpu.memory_space<vmem>>
        %dma_start3A_192 = tpu.memref_slice %arg8[%mul3A_186] : memref<1024xi32, #tpu.memory_space<vmem>> -> memref<16xi32, #tpu.memory_space<vmem>>
        %dma_start3A_193 = arith.constant 0 : i32
        %dma_start3A_194 = arith.constant 0 : i32
        %dma_start3A_195 = tpu.memref_slice %arg5[%dma_start3A_193, %dma_start3A_194] : memref<8192x1024xf32, #tpu.memory_space<hbm>> -> memref<8192x1024xf32, #tpu.memory_space<hbm>>
        tpu.enqueue_indirect_dma source(%dma_start3A_195 : memref<8192x1024xf32, #tpu.memory_space<hbm>>) target(%dma_start3A_191 : memref<16x1024xf32, #tpu.memory_space<vmem>>) offsets(%dma_start3A_192 : memref<16xi32, #tpu.memory_space<vmem>>) semaphore(%arg14 : memref<!tpu.dma_semaphore, #tpu.memory_space<semaphore_mem>>)
      } else {
      }
      %mul3A_113 = arith.constant 16 : i32
      %mul3A_114 = arith.muli %add3A_103, %mul3A_113 : i32
      %dma_wait3A_115 = arith.constant 1 : i32
      %dma_wait3A_116 = arith.constant 0 : i32
      %dma_wait3A_117 = arith.constant 0 : i32
      %dma_wait3A_118 = tpu.memref_slice %arg9[%dma_wait3A_115, %dma_wait3A_116, %dma_wait3A_117] : memref<3x16x1024xf32, #tpu.memory_space<vmem>> -> memref<1x16x1024xf32, #tpu.memory_space<vmem>>
      %dma_wait3A_119 = tpu.memref_squeeze %dma_wait3A_118 : memref<1x16x1024xf32, #tpu.memory_space<vmem>> -> memref<16x1024xf32, #tpu.memory_space<vmem>>
      %dma_wait3A_120 = tpu.memref_slice %arg7[%mul3A_114] : memref<1024xi32, #tpu.memory_space<vmem>> -> memref<16xi32, #tpu.memory_space<vmem>>
      %dma_wait3A_121 = arith.constant 0 : i32
      %dma_wait3A_122 = arith.constant 0 : i32
      %dma_wait3A_123 = tpu.memref_slice %arg4[%dma_wait3A_121, %dma_wait3A_122] : memref<50304x1024xf32, #tpu.memory_space<hbm>> -> memref<50304x1024xf32, #tpu.memory_space<hbm>>
      tpu.wait_indirect_dma semaphore(%arg12 : memref<!tpu.dma_semaphore, #tpu.memory_space<semaphore_mem>>) src(%dma_wait3A_123 : memref<50304x1024xf32, #tpu.memory_space<hbm>>) dst(%dma_wait3A_119 : memref<16x1024xf32, #tpu.memory_space<vmem>>)
      %mul3A_124 = arith.constant 16 : i32
      %mul3A_125 = arith.muli %add3A_103, %mul3A_124 : i32
      %dma_wait3A_126 = arith.constant 1 : i32
      %dma_wait3A_127 = arith.constant 0 : i32
      %dma_wait3A_128 = arith.constant 0 : i32
      %dma_wait3A_129 = tpu.memref_slice %arg10[%dma_wait3A_126, %dma_wait3A_127, %dma_wait3A_128] : memref<3x16x1024xf32, #tpu.memory_space<vmem>> -> memref<1x16x1024xf32, #tpu.memory_space<vmem>>
      %dma_wait3A_130 = tpu.memref_squeeze %dma_wait3A_129 : memref<1x16x1024xf32, #tpu.memory_space<vmem>> -> memref<16x1024xf32, #tpu.memory_space<vmem>>
      %dma_wait3A_131 = tpu.memref_slice %arg8[%mul3A_125] : memref<1024xi32, #tpu.memory_space<vmem>> -> memref<16xi32, #tpu.memory_space<vmem>>
      %dma_wait3A_132 = arith.constant 0 : i32
      %dma_wait3A_133 = arith.constant 0 : i32
      %dma_wait3A_134 = tpu.memref_slice %arg5[%dma_wait3A_132, %dma_wait3A_133] : memref<8192x1024xf32, #tpu.memory_space<hbm>> -> memref<8192x1024xf32, #tpu.memory_space<hbm>>
      tpu.wait_indirect_dma semaphore(%arg15 : memref<!tpu.dma_semaphore, #tpu.memory_space<semaphore_mem>>) src(%dma_wait3A_134 : memref<8192x1024xf32, #tpu.memory_space<hbm>>) dst(%dma_wait3A_130 : memref<16x1024xf32, #tpu.memory_space<vmem>>)
      %mul3A_135 = arith.constant 3 : i32
      %mul3A_136 = arith.muli %mul3A_135, %scan3A_68 : i32
      %add3A_137 = arith.constant 2 : i32
      %add3A_138 = arith.addi %mul3A_136, %add3A_137 : i32
      %add3A_139 = arith.constant 3 : i32
      %add3A_140 = arith.addi %add3A_138, %add3A_139 : i32
      %sub3A_141 = arith.constant 1 : i32
      %sub3A_142 = arith.subi %add3A_140, %sub3A_141 : i32
      %lt3A_143 = arith.constant 64 : i32
      %lt3A_144 = arith.cmpi slt, %sub3A_142, %lt3A_143 : i32
      %convert_element_type3A_145 = arith.extui %lt3A_144 : i1 to i32
      %cond3A_146 = arith.constant 0 : i32
      %cond3A_147 = arith.cmpi ne, %convert_element_type3A_145, %cond3A_146 : i32
      scf.if %cond3A_147 {
        %add3A_170 = arith.constant 3 : i32
        %add3A_171 = arith.addi %add3A_138, %add3A_170 : i32
        %sub3A_172 = arith.constant 1 : i32
        %sub3A_173 = arith.subi %add3A_171, %sub3A_172 : i32
        %mul3A_174 = arith.constant 16 : i32
        %mul3A_175 = arith.muli %sub3A_173, %mul3A_174 : i32
        %dma_start3A_176 = arith.constant 1 : i32
        %dma_start3A_177 = arith.constant 0 : i32
        %dma_start3A_178 = arith.constant 0 : i32
        %dma_start3A_179 = tpu.memref_slice %arg9[%dma_start3A_176, %dma_start3A_177, %dma_start3A_178] : memref<3x16x1024xf32, #tpu.memory_space<vmem>> -> memref<1x16x1024xf32, #tpu.memory_space<vmem>>
        %dma_start3A_180 = tpu.memref_squeeze %dma_start3A_179 : memref<1x16x1024xf32, #tpu.memory_space<vmem>> -> memref<16x1024xf32, #tpu.memory_space<vmem>>
        %dma_start3A_181 = tpu.memref_slice %arg7[%mul3A_175] : memref<1024xi32, #tpu.memory_space<vmem>> -> memref<16xi32, #tpu.memory_space<vmem>>
        %dma_start3A_182 = arith.constant 0 : i32
        %dma_start3A_183 = arith.constant 0 : i32
        %dma_start3A_184 = tpu.memref_slice %arg4[%dma_start3A_182, %dma_start3A_183] : memref<50304x1024xf32, #tpu.memory_space<hbm>> -> memref<50304x1024xf32, #tpu.memory_space<hbm>>
        tpu.enqueue_indirect_dma source(%dma_start3A_184 : memref<50304x1024xf32, #tpu.memory_space<hbm>>) target(%dma_start3A_180 : memref<16x1024xf32, #tpu.memory_space<vmem>>) offsets(%dma_start3A_181 : memref<16xi32, #tpu.memory_space<vmem>>) semaphore(%arg12 : memref<!tpu.dma_semaphore, #tpu.memory_space<semaphore_mem>>)
        %mul3A_185 = arith.constant 16 : i32
        %mul3A_186 = arith.muli %sub3A_173, %mul3A_185 : i32
        %dma_start3A_187 = arith.constant 1 : i32
        %dma_start3A_188 = arith.constant 0 : i32
        %dma_start3A_189 = arith.constant 0 : i32
        %dma_start3A_190 = tpu.memref_slice %arg10[%dma_start3A_187, %dma_start3A_188, %dma_start3A_189] : memref<3x16x1024xf32, #tpu.memory_space<vmem>> -> memref<1x16x1024xf32, #tpu.memory_space<vmem>>
        %dma_start3A_191 = tpu.memref_squeeze %dma_start3A_190 : memref<1x16x1024xf32, #tpu.memory_space<vmem>> -> memref<16x1024xf32, #tpu.memory_space<vmem>>
        %dma_start3A_192 = tpu.memref_slice %arg8[%mul3A_186] : memref<1024xi32, #tpu.memory_space<vmem>> -> memref<16xi32, #tpu.memory_space<vmem>>
        %dma_start3A_193 = arith.constant 0 : i32
        %dma_start3A_194 = arith.constant 0 : i32
        %dma_start3A_195 = tpu.memref_slice %arg5[%dma_start3A_193, %dma_start3A_194] : memref<8192x1024xf32, #tpu.memory_space<hbm>> -> memref<8192x1024xf32, #tpu.memory_space<hbm>>
        tpu.enqueue_indirect_dma source(%dma_start3A_195 : memref<8192x1024xf32, #tpu.memory_space<hbm>>) target(%dma_start3A_191 : memref<16x1024xf32, #tpu.memory_space<vmem>>) offsets(%dma_start3A_192 : memref<16xi32, #tpu.memory_space<vmem>>) semaphore(%arg15 : memref<!tpu.dma_semaphore, #tpu.memory_space<semaphore_mem>>)
      } else {
      }
      %mul3A_148 = arith.constant 16 : i32
      %mul3A_149 = arith.muli %add3A_138, %mul3A_148 : i32
      %dma_wait3A_150 = arith.constant 2 : i32
      %dma_wait3A_151 = arith.constant 0 : i32
      %dma_wait3A_152 = arith.constant 0 : i32
      %dma_wait3A_153 = tpu.memref_slice %arg9[%dma_wait3A_150, %dma_wait3A_151, %dma_wait3A_152] : memref<3x16x1024xf32, #tpu.memory_space<vmem>> -> memref<1x16x1024xf32, #tpu.memory_space<vmem>>
      %dma_wait3A_154 = tpu.memref_squeeze %dma_wait3A_153 : memref<1x16x1024xf32, #tpu.memory_space<vmem>> -> memref<16x1024xf32, #tpu.memory_space<vmem>>
      %dma_wait3A_155 = tpu.memref_slice %arg7[%mul3A_149] : memref<1024xi32, #tpu.memory_space<vmem>> -> memref<16xi32, #tpu.memory_space<vmem>>
      %dma_wait3A_156 = arith.constant 0 : i32
      %dma_wait3A_157 = arith.constant 0 : i32
      %dma_wait3A_158 = tpu.memref_slice %arg4[%dma_wait3A_156, %dma_wait3A_157] : memref<50304x1024xf32, #tpu.memory_space<hbm>> -> memref<50304x1024xf32, #tpu.memory_space<hbm>>
      tpu.wait_indirect_dma semaphore(%arg13 : memref<!tpu.dma_semaphore, #tpu.memory_space<semaphore_mem>>) src(%dma_wait3A_158 : memref<50304x1024xf32, #tpu.memory_space<hbm>>) dst(%dma_wait3A_154 : memref<16x1024xf32, #tpu.memory_space<vmem>>)
      %mul3A_159 = arith.constant 16 : i32
      %mul3A_160 = arith.muli %add3A_138, %mul3A_159 : i32
      %dma_wait3A_161 = arith.constant 2 : i32
      %dma_wait3A_162 = arith.constant 0 : i32
      %dma_wait3A_163 = arith.constant 0 : i32
      %dma_wait3A_164 = tpu.memref_slice %arg10[%dma_wait3A_161, %dma_wait3A_162, %dma_wait3A_163] : memref<3x16x1024xf32, #tpu.memory_space<vmem>> -> memref<1x16x1024xf32, #tpu.memory_space<vmem>>
      %dma_wait3A_165 = tpu.memref_squeeze %dma_wait3A_164 : memref<1x16x1024xf32, #tpu.memory_space<vmem>> -> memref<16x1024xf32, #tpu.memory_space<vmem>>
      %dma_wait3A_166 = tpu.memref_slice %arg8[%mul3A_160] : memref<1024xi32, #tpu.memory_space<vmem>> -> memref<16xi32, #tpu.memory_space<vmem>>
      %dma_wait3A_167 = arith.constant 0 : i32
      %dma_wait3A_168 = arith.constant 0 : i32
      %dma_wait3A_169 = tpu.memref_slice %arg5[%dma_wait3A_167, %dma_wait3A_168] : memref<8192x1024xf32, #tpu.memory_space<hbm>> -> memref<8192x1024xf32, #tpu.memory_space<hbm>>
      tpu.wait_indirect_dma semaphore(%arg16 : memref<!tpu.dma_semaphore, #tpu.memory_space<semaphore_mem>>) src(%dma_wait3A_169 : memref<8192x1024xf32, #tpu.memory_space<hbm>>) dst(%dma_wait3A_165 : memref<16x1024xf32, #tpu.memory_space<vmem>>)
    }
    %scan3A_48 = arith.constant 21 : i32
    %dma_wait3A = arith.constant 0 : i32
    %dma_wait3A_49 = arith.constant 0 : i32
    %dma_wait3A_50 = arith.constant 0 : i32
    %dma_wait3A_51 = tpu.memref_slice %arg9[%dma_wait3A, %dma_wait3A_49, %dma_wait3A_50] : memref<3x16x1024xf32, #tpu.memory_space<vmem>> -> memref<1x16x1024xf32, #tpu.memory_space<vmem>>
    %dma_wait3A_52 = tpu.memref_squeeze %dma_wait3A_51 : memref<1x16x1024xf32, #tpu.memory_space<vmem>> -> memref<16x1024xf32, #tpu.memory_space<vmem>>
    %dma_wait3A_53 = arith.constant 1008 : i32
    %dma_wait3A_54 = tpu.memref_slice %arg7[%dma_wait3A_53] : memref<1024xi32, #tpu.memory_space<vmem>> -> memref<16xi32, #tpu.memory_space<vmem>>
    %dma_wait3A_55 = arith.constant 0 : i32
    %dma_wait3A_56 = arith.constant 0 : i32
    %dma_wait3A_57 = tpu.memref_slice %arg4[%dma_wait3A_55, %dma_wait3A_56] : memref<50304x1024xf32, #tpu.memory_space<hbm>> -> memref<50304x1024xf32, #tpu.memory_space<hbm>>
    tpu.wait_indirect_dma semaphore(%arg11 : memref<!tpu.dma_semaphore, #tpu.memory_space<semaphore_mem>>) src(%dma_wait3A_57 : memref<50304x1024xf32, #tpu.memory_space<hbm>>) dst(%dma_wait3A_52 : memref<16x1024xf32, #tpu.memory_space<vmem>>)
    %dma_wait3A_58 = arith.constant 0 : i32
    %dma_wait3A_59 = arith.constant 0 : i32
    %dma_wait3A_60 = arith.constant 0 : i32
    %dma_wait3A_61 = tpu.memref_slice %arg10[%dma_wait3A_58, %dma_wait3A_59, %dma_wait3A_60] : memref<3x16x1024xf32, #tpu.memory_space<vmem>> -> memref<1x16x1024xf32, #tpu.memory_space<vmem>>
    %dma_wait3A_62 = tpu.memref_squeeze %dma_wait3A_61 : memref<1x16x1024xf32, #tpu.memory_space<vmem>> -> memref<16x1024xf32, #tpu.memory_space<vmem>>
    %dma_wait3A_63 = arith.constant 1008 : i32
    %dma_wait3A_64 = tpu.memref_slice %arg8[%dma_wait3A_63] : memref<1024xi32, #tpu.memory_space<vmem>> -> memref<16xi32, #tpu.memory_space<vmem>>
    %dma_wait3A_65 = arith.constant 0 : i32
    %dma_wait3A_66 = arith.constant 0 : i32
    %dma_wait3A_67 = tpu.memref_slice %arg5[%dma_wait3A_65, %dma_wait3A_66] : memref<8192x1024xf32, #tpu.memory_space<hbm>> -> memref<8192x1024xf32, #tpu.memory_space<hbm>>
    tpu.wait_indirect_dma semaphore(%arg14 : memref<!tpu.dma_semaphore, #tpu.memory_space<semaphore_mem>>) src(%dma_wait3A_67 : memref<8192x1024xf32, #tpu.memory_space<hbm>>) dst(%dma_wait3A_62 : memref<16x1024xf32, #tpu.memory_space<vmem>>)
    return
  }
}

</mosaic_0001>

<sc_bundles>
// kernel: kernel.3.cloned.1.call-start
scs
__scs_entry_jumppad:
0x0: {  	(pc) =	sbr.rel $0x88, $3  }
0x1: {  	(tag) =	ssettag $0x0;
	lr =	simm.s32 $0x1  }
0x2: {  	[smem:$0x3F9D] =	sst lr;
	_ =	strace $0xD0000000  }
0x3: {  	_ = 	snop  }
0x4: {  	_ = 	snop  }
0x5: {  	_ = 	snop  }
0x6: {  	_ = 	snop  }
0x7: {  	_ = 	snop  }
__scs_overlays_trampoline_lowered:
0x8: {  	[smem:$0x3FAC] =	sst s0  }
0x9: {  	[smem:$0x3FAD] =	sst s1  }
0xa: {  	[smem:$0x3FAE] =	sst s2  }
0xb: {  	[smem:$0x3FAF] =	sst s3  }
0xc: {  	[smem:$0x3FB0] =	sst s4  }
0xd: {  	[smem:$0x3FB1] =	sst s5  }
0xe: {  	[smem:$0x3FB2] =	sst s6  }
0xf: {  	[smem:$0x3FB3] =	sst s7  }
0x10: {  	[smem:$0x3FB4] =	sst s8  }
0x11: {  	[smem:$0x3FB5] =	sst s9;
	s0 =	simm.s32 @!p0 $0x0  }
0x12: {  	s1 =	sld [smem:$0x3F9B];
	s0 =	simm.s32 @p0 $0x1  }
0x13: {  	[smem:$0x3FB6] =	sst s0;
	s0 =	simm.s32 @!p1 $0x0  }
0x14: {  	s2 =	sld [smem:$0x3F9A];
	s0 =	simm.s32 @p1 $0x1  }
0x15: {  	[smem:$0x3FB7] =	sst s0;
	s0 =	simm.s32 @!p2 $0x0  }
0x16: {  	s3 =	sld [smem:$0x3FDB];
	s0 =	simm.s32 @p2 $0x1  }
0x17: {  	s4 =	simm.s32 $0x1BF5;
	[smem:$0x3FB9] =	sst s0  }
0x18: {  	s0 =	sld [smem:$0x3F9C];
	_ =	swait.ge [sflag:s4], $0x0  }
0x19: {  	s7 =	sld [smem:$0x3F9D]  }
0x1a: {  	s8 =	sadd.s32 $0xFFFFE003, lr  }
0x1b: {  	s9 =	sadd.s32 $0xFFFFFEF7, lr;
	s5 =	simm.s32 $0xFFFFFFFF;
	p2 =	slt.u32 s8, $0xFFFFF086  }
0x1c: {  	p1 =	slt.u32 s9, $0xF7A;
	s5 =	simm.s32 @!p2 $0x0  }
0x1d: {  	s5 =	simm.s32 @p1 $0x1;
	p0 =	seq.s32 s7, s2  }
0x1e: {  	s7 =	smul.u32 @!p0 $0xF7A, s2;
	p2 =	seq.s32 @!p0 s5, $0x0  }
0x1f: {  	s9 =	smul.u32 $0xF7A, s1;
	s8 =	simm.s32 @!p0 $0x1BF5;
	p2 =	por !p2, p0  }
0x20: {  	[sflag:s8] =	ssyncset.s32 @!p0 $0xFFFFF086;
	s6 =	sadd.s32 @!p0 s3, s7;
	s7 =	simm.s32 @!p0 $0x108  }
0x21: {  	s3 =	sadd.s32 s3, s9;
	s6 =	sadd.s32 @!p0 $0x88, s6;
	s7 =	simm.s32 @p2 $0x1082  }
0x22: {  	[simem:s7], [sflag:s8] =	dma.local @!p0 [hbm:s6], $0xF7A  }
0x23: {  	s9 =	sor.u32 $0xD0000000, s2;
	s6 =	simm.s32 $0x108;
	_ =	swait.ge @!p0 [sflag:s8], $0x0  }
0x24: {  	s3 =	sadd.s32 $0x88, s3;
	s6 =	simm.s32 @!p1 $0x1082;
	[sflag:s4] =	ssyncset.s32 $0xFFFFF086  }
0x25: {  	[simem:s6], [sflag:s4] =	dma.local [hbm:s3], $0xF7A  }
0x26: {  	[smem:$0x3F9D] =	sst s1;
	(tag) =	ssettag s2;
	_ =	strace s9  }
0x27: {  	s1 =	sld [smem:$0x3FAD]  }
0x28: {  	s2 =	sld [smem:$0x3FAE]  }
0x29: {  	s4 =	sld [smem:$0x3FB0]  }
0x2a: {  	p0 =	seq.s32 s5, $0x0;
	s5 =	sld [smem:$0x3FB1]  }
0x2b: {  	s6 =	sld [smem:$0x3FB2]  }
0x2c: {  	s7 =	sld [smem:$0x3FB3]  }
0x2d: {  	s3 =	simm.s32 $0x108;
	s8 =	sld [smem:$0x3FB4]  }
0x2e: {  	s3 =	simm.s32 @!p0 $0x1082;
	s9 =	sld [smem:$0x3FB5]  }
0x2f: {  	lr =	sadd.s32 s0, s3;
	s0 =	sld [smem:$0x3FAC]  }
0x30: {  	s3 =	sld [smem:$0x3FAF]  }
0x31: {  	[smem:$0x3FB8] =	sst s10  }
0x32: {  	s10 =	sld [smem:$0x3FB6];
	_ =	sdelay $0x3  }
0x33: {  	p0 =	seq.s32 s10, $0x1;
	s10 =	sld [smem:$0x3FB8];
	_ =	sdelay $0x3  }
0x34: {  	[smem:$0x3FB8] =	sst s10  }
0x35: {  	s10 =	sld [smem:$0x3FB7];
	_ =	sdelay $0x3  }
0x36: {  	p1 =	seq.s32 s10, $0x1;
	s10 =	sld [smem:$0x3FB8];
	_ =	sdelay $0x3  }
0x37: {  	[smem:$0x3FB8] =	sst s10  }
0x38: {  	s10 =	sld [smem:$0x3FB9]  }
0x39: {  	_ = 	snop;
	(pc) =	sbr.ind lr, $3  }
0x3a: {  	_ = 	snop  }
0x3b: {  	_ = 	snop  }
0x3c: {  	p2 =	seq.s32 s10, $0x1;
	s10 =	sld [smem:$0x3FB8]  }
0x3d: {  	_ =	shalt  }
0x3e: {  	_ =	shalt  }
0x3f: {  	_ =	shalt  }
0x40: {  	_ =	shalt  }
0x41: {  	_ =	shalt  }
0x42: {  	_ =	shalt  }
0x43: {  	_ =	shalt  }
0x44: {  	_ =	shalt  }
0x45: {  	_ =	shalt  }
0x46: {  	_ =	shalt  }
0x47: {  	_ =	shalt  }
0x48: {  	_ =	shalt  }
0x49: {  	_ =	shalt  }
0x4a: {  	_ =	shalt  }
0x4b: {  	_ =	shalt  }
0x4c: {  	_ =	shalt  }
0x4d: {  	_ =	shalt  }
0x4e: {  	_ =	shalt  }
0x4f: {  	_ =	shalt  }
0x50: {  	_ =	shalt  }
0x51: {  	_ =	shalt  }
0x52: {  	_ =	shalt  }
0x53: {  	_ =	shalt  }
0x54: {  	_ =	shalt  }
0x55: {  	_ =	shalt  }
0x56: {  	_ =	shalt  }
0x57: {  	_ =	shalt  }
0x58: {  	_ =	shalt  }
0x59: {  	_ =	shalt  }
0x5a: {  	_ =	shalt  }
0x5b: {  	_ =	shalt  }
0x5c: {  	_ =	shalt  }
0x5d: {  	_ =	shalt  }
0x5e: {  	_ =	shalt  }
0x5f: {  	_ =	shalt  }
0x60: {  	_ =	shalt  }
0x61: {  	_ =	shalt  }
0x62: {  	_ =	shalt  }
0x63: {  	_ =	shalt  }
0x64: {  	_ =	shalt  }
0x65: {  	_ =	shalt  }
0x66: {  	_ =	shalt  }
0x67: {  	_ =	shalt  }
0x68: {  	_ =	shalt  }
0x69: {  	_ =	shalt  }
0x6a: {  	_ =	shalt  }
0x6b: {  	_ =	shalt  }
0x6c: {  	_ =	shalt  }
0x6d: {  	_ =	shalt  }
0x6e: {  	_ =	shalt  }
0x6f: {  	_ =	shalt  }
0x70: {  	_ =	shalt  }
0x71: {  	_ =	shalt  }
0x72: {  	_ =	shalt  }
0x73: {  	_ =	shalt  }
0x74: {  	_ =	shalt  }
0x75: {  	_ =	shalt  }
0x76: {  	_ =	shalt  }
0x77: {  	_ =	shalt  }
0x78: {  	_ =	shalt  }
0x79: {  	_ =	shalt  }
0x7a: {  	_ =	shalt  }
0x7b: {  	_ =	shalt  }
0x7c: {  	_ =	shalt  }
0x7d: {  	_ =	shalt  }
0x7e: {  	_ =	shalt  }
0x7f: {  	_ =	shalt  }
0x80: {  	_ =	shalt  }
0x81: {  	_ =	shalt  }
0x82: {  	_ =	shalt  }
0x83: {  	_ =	shalt  }
0x84: {  	_ =	shalt  }
0x85: {  	_ =	shalt  }
0x86: {  	_ =	shalt  }
0x87: {  	_ =	shalt  }
.Lfunc_end0:
.L_simem_size_0:
called_computation_lowered:
.L_overlay_start_0:
0x88: {  	s2 =	sld [smem:$0x3FD9]  }
0x89: {  	s3 =	sld [smem:$0x3FFE];
	_ =	sdelay $0x1  }
0x8a: {  	s1 =	srdreg.scid  }
0x8b: {  	s0 =	sand.u32 $0x1, s1  }
0x8c: {  	s18 =	sshll.u32 s0, $0xA;
	s2 =	sadd.s32 s3, s2  }
0x8d: {  	s2 =	sadd.s32 s2, s18  }
0x8e: {  	[smem:$0x3FC4] =	sst s2  }
0x8f: {  	_ = 	snop  }
0x90: {  	s2 =	sld [smem:$0x3FC9]  }
0x91: {  	s19 =	sld [smem:$0x3FC8]  }
0x92: {  	s4 =	sld [smem:$0x3FC7]  }
0x93: {  	s5 =	sld [smem:$0x3FC6];
	(tm) =	ssettm $0x1  }
0x94: {  	s6 =	sld [smem:$0x3FFB];
	_ =	sdelay $0x3  }
0x95: {  	_ =	strace s6  }
0x96: {  	s6 =	sld [smem:$0x3FFC];
	_ =	sdelay $0x3  }
0x97: {  	_ =	strace s6  }
0x98: {  	s6 =	sld [smem:$0x3FFD];
	_ =	sdelay $0x3  }
0x99: {  	_ =	strace s6  }
0x9a: {  	_ =	strace $0x8FFFFFFF  }
0x9b: {  	s20 =	sld [smem:$0x3FDB];
	_ =	sdelay $0x1  }
0x9c: {  	s7 =	simm.s32 $_scs_section_size  }
0x9d: {  	s8 =	simm.s32 $_size__tile_overlayer_lowered;
	s9 =	simm.s32 $_tile_overlayer_lowered  }
0x9e: {  	s23 =	simm.s32 $0x1BFF;
	s22 =	sshll.u32 s9, $0x1;
	s6 =	sadd.s32 s7, s20  }
0x9f: {  	s10 =	simm.s32 $0x0;
	s21 =	sshll.u32 s8, $0x1;
	s8 =	sadd.s32 s22, s6  }
0xa0: {  	[timem:s10], [sflag:s23] =	dma.local [hbm:s8], s21  }
0xa1: {  	_ =	swait.ge [sflag:s23], s21  }
0xa2: {  	s7 =	ssub.s32 $0x0, s21;
	[sflag:s23] =	ssyncset.done $0x0  }
0xa3: {  	[sflag:s23] =	ssyncadd.s32 s7;
	_ =	sdelay $0x1  }
0xa4: {  	s24 =	simm.s32 $0x1B8B  }
0xa5: {  	_ =	swait.ge [sflag:s24], $0x1  }
0xa6: {  	[sflag:s24] =	ssyncset.done $0x0  }
0xa7: {  	s25 =	simm.s32 $0x1B8E;
	[sflag:s24] =	ssyncadd.s32 $0xFFFFFFFF  }
0xa8: {  	s26 =	simm.s32 $execute0_lowered;
	[smem:$0x3FD2] =	sst s25  }
0xa9: {  	s7 =	sshll.u32 s26, $0x1;
	_ =	strace $0x80000046;
	[dreg:$0x1] =	wrdreg $0xFFFFFFFF  }
0xaa: {  	s28 =	simm.s32 $_size_execute0_lowered;
	s6 =	sadd.s32 s6, s7;
	[dreg:$0x0] =	wrdreg $0x0  }
0xab: {  	s7 =	sshll.u32 s28, $0x1;
	[dreg:$0x2] =	wrdreg s6  }
0xac: {  	[dreg:$0x3] =	wrdreg s7  }
0xad: {  	[dreg:$0x4] =	wrdreg $0xC0  }
0xae: {  	_ =	task [dreg:s10], $0x5FFFF  }
0xaf: {  	[dreg:$0x1] =	wrdreg $0xFFFFFFFF  }
0xb0: {  	[dreg:$0x0] =	wrdreg $0x60  }
0xb1: {  	[dreg:$0x2] =	wrdreg s2  }
0xb2: {  	[dreg:$0x3] =	wrdreg s19  }
0xb3: {  	[dreg:$0x4] =	wrdreg s4  }
0xb4: {  	[dreg:$0x5] =	wrdreg s5  }
0xb5: {  	[dreg:$0x6] =	wrdreg $0x9  }
0xb6: {  	_ =	task.clear_ibuf [dreg:s10], $0x7FFFF;
	_ =	strace $0x90000046  }
0xb7: {  	s29 =	simm.s32 $0x9;
	_ =	strace $0x80000048  }
0xb8: {  	_ =	swait.ge [sflag:s29], $0x1  }
0xb9: {  	[sflag:s29] =	ssyncadd.s32 $0xFFFFFFFF  }
0xba: {  	_ =	strace $0x90000048  }
0xbb: {  	_ =	sfence  }
0xbc: {  	s30 =	sld [smem:$0x0];
	_ =	sdelay $0x2  }
0xbd: {  	s31 =	sshll.u32 s1, $0xD;
	s1 =	sshrl.u32 s1, $0x2  }
0xbe: {  	s3 =	sand.u32 $0x4000, s31;
	s1 =	sadd.s32 s1, s30  }
0xbf: {  	s0 =	sor.u32 s3, s0;
	s1 =	sshll.u32 s1, $0x11  }
0xc0: {  	s0 =	sor.u32 s1, s0  }
0xc1: {  	s0 =	sadd.s32 $0x8F2B, s0  }
0xc2: {  	[sflag:s0] =	ssyncadd.remote.s32 $0x1  }
0xc3: {  	_ =	sfence.sel $0xFFFF  }
0xc4: {  	[dreg:$0x0] =	wrdreg $0xFFFFFFFF;
	(pc) =	sbr.abs _section_cstart, $3  }
0xc5: {  	[dreg:$0x1] =	wrdreg $0xFFFFFFFF  }
0xc6: {  	_ =	task.clear_ibuf [dreg:s10], $0x2FFFF;
	_ =	strace $0x9FFFFFFF  }
0xc7: {  	(tm) =	ssettm $0x7FFFFFFF  }
tec
execute0_lowered:
.L_overlay_start_1:
0x0: {  	(tag) =	ssettag $0x1  }
0x1: {  	s0 =	rddreg [dreg:$0x0]  }
0x2: {  	s2 =	rddreg [dreg:$0x1]  }
0x3: {  	s1 =	rddreg [dreg:$0x2]  }
0x4: {  	s3 =	rddreg [dreg:$0x3];
	s5 =	srdreg.scid;
	s4 =	simm.s32 $0x0  }
0x5: {  	s8 =	stileid.u32;
	s26 =	simm.s32 $0x8800;
	s13 =	simm.s32 $0xA000  }
0x6: {  	s15 =	simm.s32 $0xA800;
	s16 =	simm.s32 $0xB000;
	[smem:$0x7FF] =	sst s4  }
0x7: {  	s17 =	simm.s32 $0xB800;
	_ =	strace $0x80000047;
	[dreg:$0x5] =	wrdreg s26  }
0x8: {  	s18 =	simm.s32 $0xC000;
	s19 =	simm.s32 $0x14800;
	[dreg:$0x8] =	wrdreg s13  }
0x9: {  	s20 =	simm.s32 $0x15000;
	s21 =	simm.s32 $0x15800;
	[dreg:$0x9] =	wrdreg s15  }
0xa: {  	s22 =	simm.s32 $0x16000;
	s23 =	simm.s32 $0x16800;
	[dreg:$0xa] =	wrdreg s16  }
0xb: {  	s24 =	simm.s32 $0x17000;
	s28 =	simm.s32 $0x3000;
	[dreg:$0xb] =	wrdreg s17  }
0xc: {  	s29 =	simm.s32 $0x3800;
	s30 =	simm.s32 $0x4000;
	[dreg:$0xc] =	wrdreg s18  }
0xd: {  	s31 =	simm.s32 $0xC800;
	s5 =	sand.u32 $0x1, s5;
	[dreg:$0xd] =	wrdreg s19  }
0xe: {  	s7 =	sshll.u32 s8, $0x5;
	s8 =	sshll.u32 s8, $0x8;
	[dreg:$0xe] =	wrdreg s20  }
0xf: {  	s10 =	sadd.s32 $0x100, s3;
	s11 =	sadd.s32 $0x200, s3;
	[dreg:$0xf] =	wrdreg s21  }
0x10: {  	s12 =	sadd.s32 $0x300, s3;
	s6 =	ssub.s32 $0x2, s5;
	[dreg:$0x10] =	wrdreg s22  }
0x11: {  	s5 =	sshll.u32 s5, $0x4;
	s7 =	sand.u32 $0x20, s7;
	[dreg:$0x11] =	wrdreg s23  }
0x12: {  	s8 =	sand.u32 $0xE00, s8;
	[dreg:$0x12] =	wrdreg s24;
	s26 =	simm.s32 $0x18000  }
0x13: {  	s13 =	simm.s32 $0x5;
	s15 =	simm.s32 $0x3;
	s16 =	simm.s32 $0x6  }
0x14: {  	s17 =	simm.s32 $0xE000;
	s23 =	simm.s32 $0xF000;
	s5 =	sor.u32 s5, s7  }
0x15: {  	s24 =	simm.s32 $0xF800;
	s9 =	sshrl.u32 s6, $0x1;
	s5 =	sor.u32 s8, s5  }
0x16: {  	s7 =	sadd.s32 $0x100, s1;
	[dreg:$0x14] =	wrdreg s26;
	s0 =	sadd.s32 s0, s5  }
0x17: {  	s26 =	simm.s32 $0x2800;
	s25 =	sadd.s32 s2, s5;
	[dreg:$0x15] =	wrdreg s0  }
0x18: {  	s6 =	ssub.s32 s6, s9;
	s2 =	simm.s32 $0x9000;
	[dreg:$0x16] =	wrdreg s25  }
0x19: {  	s8 =	sadd.s32 $0x200, s1;
	s5 =	simm.s32 $0x9800;
	[dreg:$0x6] =	wrdreg s2  }
0x1a: {  	s9 =	sadd.s32 $0x300, s1;
	s14 =	smax.u32 s6, $0x1;
	[dreg:$0x7] =	wrdreg s5  }
0x1b: {  	v2 =	vlaneseq.u32;
	s6 =	simm.s32 $0x4;
	[dreg:$0x17] =	wrdreg s14;
	s25 =	simm.s32 $0x17800  }
0x1c: {  	vm0 =	vmmov $0xffff;
	v1 =	vshrl.u32 v2, $0x3;
	s5 =	simm.s32 $0x1;
	s14 =	simm.s32 $0x2;
	s0 =	simm.s32 $0x0  }
0x1d: {  	v0 =	vand.u32 $0x7, v2;
	v2 =	vor.u32 $0x8, v2;
	v1 =	vmul.u32 $0x8, v1;
	s2 =	simm.s32 $0xD800;
	[dreg:$0x13] =	wrdreg s25;
	s25 =	simm.s32 $0x10000  }
.LBB2_1:
0x1e: {  	[dreg:$0x18] =	wrdreg s0  }
0x1f: {  	s18 =	rddreg [dreg:$0x15]  }
0x20: {  	s19 =	simm.s32 $0x80;
	s20 =	simm.s32 $0x200;
	s21 =	simm.s32 $0x7  }
0x21: {  	[tilespmem:s4], [sflag:$0x7] =	stream.strided.gather [hbm4b:s18+s19], $0x400, s20, s19, $0x38;
	[tilespmem:$0x18800] =	vst v63  }
0x22: {  	_ =	swait.ge [sflag:s21], $0x400  }
0x23: {  	[sflag:s21] =	ssyncset.done $0x0  }
0x24: {  	s22 =	simm.s32 $0x400;
	s0 =	rddreg [dreg:$0x16];
	[sflag:s21] =	ssyncadd.s32 $0xFFFFFC00  }
0x25: {  	[tilespmem:s22], [sflag:$0x7] =	stream.strided.gather [hbm4b:s0+s19], $0x400, s20, s19, $0x38;
	[tilespmem:$0x18800] =	vst v63  }
0x26: {  	_ =	swait.ge [sflag:s21], $0x400  }
0x27: {  	[sflag:s21] =	ssyncset.done $0x0  }
0x28: {  	[sflag:s21] =	ssyncadd.s32 $0xFFFFFC00  }
0x29: {  	v3 =	vld [tilespmem:$0x0];
	_ =	sdelay $0x4  }
0x2a: {  	v4 =	vshll.u32 v3, $0x3  }
0x2b: {  	v3 =	vand.u32 $0x7, v3;
	v4 =	vand.u32 $0xFFFFFFC0, v4  }
0x2c: {  	v3 =	vor.u32 v3, v4  }
0x2d: {  	v4 =	vperm.xlane v3, v0;
	_ =	sdelay $0x1  }
0x2e: {  	v4 =	vadd.s32 v1, v4;
	_ =	sdelay $0x3  }
0x2f: {  	s22 =	simm.s32 $0x800  }
0x30: {  	[tilespmem:s22], [sflag:$0x1] =	stream.indirect_vreg.gather [hbm4b:s1+s4], $0x80, v4, vm0, $0xb8;
	[tilespmem:$0x18800] =	vst v63  }
0x31: {  	s18 =	simm.s32 $0x1000;
	v3 =	vperm.xlane v3, v2  }
0x32: {  	[tilespmem:s18], [sflag:$0x1] =	stream.indirect_vreg.gather [hbm4b:s7+s4], $0x80, v4, vm0, $0xb8;
	[tilespmem:$0x18800] =	vst v63  }
0x33: {  	s19 =	simm.s32 $0x1800;
	v3 =	vadd.s32 v1, v3  }
0x34: {  	[tilespmem:s19], [sflag:$0x1] =	stream.indirect_vreg.gather [hbm4b:s8+s4], $0x80, v4, vm0, $0xb8;
	[tilespmem:$0x18800] =	vst v63  }
0x35: {  	s20 =	simm.s32 $0x2000  }
0x36: {  	[tilespmem:s20], [sflag:$0x1] =	stream.indirect_vreg.gather [hbm4b:s9+s4], $0x80, v4, vm0, $0xb8;
	[tilespmem:$0x18800] =	vst v63  }
0x37: {  	_ = 	snop  }
0x38: {  	[tilespmem:s26], [sflag:$0x1] =	stream.indirect_vreg.gather [hbm4b:s1+s4], $0x80, v3, vm0, $0xb8;
	[tilespmem:$0x18800] =	vst v63  }
0x39: {  	_ = 	snop  }
0x3a: {  	[tilespmem:s28], [sflag:$0x1] =	stream.indirect_vreg.gather [hbm4b:s7+s4], $0x80, v3, vm0, $0xb8;
	[tilespmem:$0x18800] =	vst v63  }
0x3b: {  	_ = 	snop  }
0x3c: {  	[tilespmem:s29], [sflag:$0x1] =	stream.indirect_vreg.gather [hbm4b:s8+s4], $0x80, v3, vm0, $0xb8;
	[tilespmem:$0x18800] =	vst v63  }
0x3d: {  	_ = 	snop  }
0x3e: {  	[tilespmem:s30], [sflag:$0x1] =	stream.indirect_vreg.gather [hbm4b:s9+s4], $0x80, v3, vm0, $0xb8;
	[tilespmem:$0x18800] =	vst v63  }
0x3f: {  	v3 =	vld [tilespmem:$0x400];
	_ =	sdelay $0x4  }
0x40: {  	v61 =	vshll.u32 v3, $0x3  }
0x41: {  	v3 =	vand.u32 $0x7, v3;
	v4 =	vand.u32 $0xFFFFFFC0, v61  }
0x42: {  	v3 =	vor.u32 v3, v4  }
0x43: {  	v4 =	vperm.xlane v3, v0;
	_ =	sdelay $0x1  }
0x44: {  	v4 =	vadd.s32 v1, v4;
	_ =	sdelay $0x4  }
0x45: {  	[tilespmem:s31], [sflag:$0x4] =	stream.indirect_vreg.gather [hbm4b:s3+s4], $0x80, v4, vm0, $0xb8;
	[tilespmem:$0x18800] =	vst v63  }
0x46: {  	s0 =	simm.s32 $0xD000;
	v3 =	vperm.xlane v3, v2  }
0x47: {  	[tilespmem:s0], [sflag:$0x4] =	stream.indirect_vreg.gather [hbm4b:s10+s4], $0x80, v4, vm0, $0xb8;
	[tilespmem:$0x18800] =	vst v63  }
0x48: {  	v3 =	vadd.s32 v1, v3  }
0x49: {  	[tilespmem:s2], [sflag:$0x4] =	stream.indirect_vreg.gather [hbm4b:s11+s4], $0x80, v4, vm0, $0xb8;
	[tilespmem:$0x18800] =	vst v63  }
0x4a: {  	_ = 	snop  }
0x4b: {  	[tilespmem:s17], [sflag:$0x4] =	stream.indirect_vreg.gather [hbm4b:s12+s4], $0x80, v4, vm0, $0xb8;
	[tilespmem:$0x18800] =	vst v63  }
0x4c: {  	s22 =	simm.s32 $0xE800  }
0x4d: {  	[tilespmem:s22], [sflag:$0x4] =	stream.indirect_vreg.gather [hbm4b:s3+s4], $0x80, v3, vm0, $0xb8;
	[tilespmem:$0x18800] =	vst v63  }
0x4e: {  	_ = 	snop  }
0x4f: {  	[tilespmem:s23], [sflag:$0x4] =	stream.indirect_vreg.gather [hbm4b:s10+s4], $0x80, v3, vm0, $0xb8;
	[tilespmem:$0x18800] =	vst v63  }
0x50: {  	_ = 	snop  }
0x51: {  	[tilespmem:s24], [sflag:$0x4] =	stream.indirect_vreg.gather [hbm4b:s11+s4], $0x80, v3, vm0, $0xb8;
	[tilespmem:$0x18800] =	vst v63  }
0x52: {  	_ = 	snop  }
0x53: {  	[tilespmem:s25], [sflag:$0x4] =	stream.indirect_vreg.gather [hbm4b:s12+s4], $0x80, v3, vm0, $0xb8;
	[tilespmem:$0x18800] =	vst v63  }
0x54: {  	v3 =	vld [tilespmem:$0x10];
	_ =	sdelay $0x4  }
0x55: {  	v62 =	vshll.u32 v3, $0x3  }
0x56: {  	v3 =	vand.u32 $0x7, v3;
	v4 =	vand.u32 $0xFFFFFFC0, v62  }
0x57: {  	v3 =	vor.u32 v3, v4  }
0x58: {  	v4 =	vperm.xlane v3, v0;
	_ =	sdelay $0x1  }
0x59: {  	v4 =	vadd.s32 v1, v4;
	_ =	sdelay $0x3  }
0x5a: {  	s21 =	simm.s32 $0x4800  }
0x5b: {  	[tilespmem:s21], [sflag:$0x2] =	stream.indirect_vreg.gather [hbm4b:s1+s4], $0x80, v4, vm0, $0xb8;
	[tilespmem:$0x18800] =	vst v63  }
0x5c: {  	s19 =	simm.s32 $0x5000;
	v3 =	vperm.xlane v3, v2  }
0x5d: {  	[tilespmem:s19], [sflag:$0x2] =	stream.indirect_vreg.gather [hbm4b:s7+s4], $0x80, v4, vm0, $0xb8;
	[tilespmem:$0x18800] =	vst v63  }
0x5e: {  	s20 =	simm.s32 $0x5800;
	v3 =	vadd.s32 v1, v3  }
0x5f: {  	[tilespmem:s20], [sflag:$0x2] =	stream.indirect_vreg.gather [hbm4b:s8+s4], $0x80, v4, vm0, $0xb8;
	[tilespmem:$0x18800] =	vst v63  }
0x60: {  	s21 =	simm.s32 $0x6000  }
0x61: {  	[tilespmem:s21], [sflag:$0x2] =	stream.indirect_vreg.gather [hbm4b:s9+s4], $0x80, v4, vm0, $0xb8;
	[tilespmem:$0x18800] =	vst v63  }
0x62: {  	s19 =	simm.s32 $0x6800  }
0x63: {  	[tilespmem:s19], [sflag:$0x2] =	stream.indirect_vreg.gather [hbm4b:s1+s4], $0x80, v3, vm0, $0xb8;
	[tilespmem:$0x18800] =	vst v63  }
0x64: {  	s20 =	simm.s32 $0x7000  }
0x65: {  	[tilespmem:s20], [sflag:$0x2] =	stream.indirect_vreg.gather [hbm4b:s7+s4], $0x80, v3, vm0, $0xb8;
	[tilespmem:$0x18800] =	vst v63  }
0x66: {  	s21 =	simm.s32 $0x7800  }
0x67: {  	[tilespmem:s21], [sflag:$0x2] =	stream.indirect_vreg.gather [hbm4b:s8+s4], $0x80, v3, vm0, $0xb8;
	[tilespmem:$0x18800] =	vst v63  }
0x68: {  	s19 =	simm.s32 $0x8000  }
0x69: {  	[tilespmem:s19], [sflag:$0x2] =	stream.indirect_vreg.gather [hbm4b:s9+s4], $0x80, v3, vm0, $0xb8;
	[tilespmem:$0x18800] =	vst v63  }
0x6a: {  	v3 =	vld [tilespmem:$0x410];
	_ =	sdelay $0x4  }
0x6b: {  	v63 =	vshll.u32 v3, $0x3  }
0x6c: {  	v3 =	vand.u32 $0x7, v3;
	v4 =	vand.u32 $0xFFFFFFC0, v63  }
0x6d: {  	v3 =	vor.u32 v3, v4  }
0x6e: {  	v4 =	vperm.xlane v3, v0;
	_ =	sdelay $0x1  }
0x6f: {  	v4 =	vadd.s32 v1, v4;
	_ =	sdelay $0x3  }
0x70: {  	s20 =	simm.s32 $0x10800  }
0x71: {  	[tilespmem:s20], [sflag:$0x5] =	stream.indirect_vreg.gather [hbm4b:s3+s4], $0x80, v4, vm0, $0xb8;
	[tilespmem:$0x18800] =	vst v63  }
0x72: {  	s21 =	simm.s32 $0x11000;
	v3 =	vperm.xlane v3, v2  }
0x73: {  	[tilespmem:s21], [sflag:$0x5] =	stream.indirect_vreg.gather [hbm4b:s10+s4], $0x80, v4, vm0, $0xb8;
	[tilespmem:$0x18800] =	vst v63  }
0x74: {  	s19 =	simm.s32 $0x11800;
	v3 =	vadd.s32 v1, v3  }
0x75: {  	[tilespmem:s19], [sflag:$0x5] =	stream.indirect_vreg.gather [hbm4b:s11+s4], $0x80, v4, vm0, $0xb8;
	[tilespmem:$0x18800] =	vst v63  }
0x76: {  	s20 =	simm.s32 $0x12000  }
0x77: {  	[tilespmem:s20], [sflag:$0x5] =	stream.indirect_vreg.gather [hbm4b:s12+s4], $0x80, v4, vm0, $0xb8;
	[tilespmem:$0x18800] =	vst v63  }
0x78: {  	s21 =	simm.s32 $0x12800  }
0x79: {  	[tilespmem:s21], [sflag:$0x5] =	stream.indirect_vreg.gather [hbm4b:s3+s4], $0x80, v3, vm0, $0xb8;
	[tilespmem:$0x18800] =	vst v63  }
0x7a: {  	s19 =	simm.s32 $0x13000  }
0x7b: {  	[tilespmem:s19], [sflag:$0x5] =	stream.indirect_vreg.gather [hbm4b:s10+s4], $0x80, v3, vm0, $0xb8;
	[tilespmem:$0x18800] =	vst v63  }
0x7c: {  	s20 =	simm.s32 $0x13800  }
0x7d: {  	[tilespmem:s20], [sflag:$0x5] =	stream.indirect_vreg.gather [hbm4b:s11+s4], $0x80, v3, vm0, $0xb8;
	[tilespmem:$0x18800] =	vst v63  }
0x7e: {  	s18 =	simm.s32 $0x0;
	s21 =	simm.s32 $0x14000  }
0x7f: {  	[tilespmem:s21], [sflag:$0x5] =	stream.indirect_vreg.gather [hbm4b:s12+s4], $0x80, v3, vm0, $0xb8;
	[tilespmem:$0x18800] =	vst v63  }
.LBB2_2:
0x80: {  	s19 =	sshra.s32 s18, $0x2  }
0x81: {  	v3 =	vld [tilespmem:s19+$0x20];
	_ =	sdelay $0x4  }
0x82: {  	v4 =	vshll.u32 v3, $0x3  }
0x83: {  	v3 =	vand.u32 $0x7, v3;
	v4 =	vand.u32 $0xFFFFFFC0, v4  }
0x84: {  	v3 =	vor.u32 v3, v4  }
0x85: {  	v4 =	vperm.xlane v3, v0;
	_ =	sdelay $0x1  }
0x86: {  	v4 =	vadd.s32 v1, v4;
	_ =	sdelay $0x3  }
0x87: {  	s20 =	rddreg [dreg:$0x5]  }
0x88: {  	[tilespmem:s20], [sflag:$0x3] =	stream.indirect_vreg.gather [hbm4b:s1+s4], $0x80, v4, vm0, $0xb8;
	[tilespmem:$0x18800] =	vst v63  }
0x89: {  	s21 =	rddreg [dreg:$0x6];
	v3 =	vperm.xlane v3, v2  }
0x8a: {  	[tilespmem:s21], [sflag:$0x3] =	stream.indirect_vreg.gather [hbm4b:s7+s4], $0x80, v4, vm0, $0xb8;
	[tilespmem:$0x18800] =	vst v63  }
0x8b: {  	v3 =	vadd.s32 v1, v3;
	s20 =	rddreg [dreg:$0x7]  }
0x8c: {  	[tilespmem:s20], [sflag:$0x3] =	stream.indirect_vreg.gather [hbm4b:s8+s4], $0x80, v4, vm0, $0xb8;
	[tilespmem:$0x18800] =	vst v63  }
0x8d: {  	s21 =	rddreg [dreg:$0x8]  }
0x8e: {  	[tilespmem:s21], [sflag:$0x3] =	stream.indirect_vreg.gather [hbm4b:s9+s4], $0x80, v4, vm0, $0xb8;
	[tilespmem:$0x18800] =	vst v63  }
0x8f: {  	s20 =	rddreg [dreg:$0x9]  }
0x90: {  	[tilespmem:s20], [sflag:$0x3] =	stream.indirect_vreg.gather [hbm4b:s1+s4], $0x80, v3, vm0, $0xb8;
	[tilespmem:$0x18800] =	vst v63  }
0x91: {  	s21 =	rddreg [dreg:$0xa]  }
0x92: {  	[tilespmem:s21], [sflag:$0x3] =	stream.indirect_vreg.gather [hbm4b:s7+s4], $0x80, v3, vm0, $0xb8;
	[tilespmem:$0x18800] =	vst v63  }
0x93: {  	s20 =	rddreg [dreg:$0xb]  }
0x94: {  	[tilespmem:s20], [sflag:$0x3] =	stream.indirect_vreg.gather [hbm4b:s8+s4], $0x80, v3, vm0, $0xb8;
	[tilespmem:$0x18800] =	vst v63  }
0x95: {  	s21 =	rddreg [dreg:$0xc]  }
0x96: {  	[tilespmem:s21], [sflag:$0x3] =	stream.indirect_vreg.gather [hbm4b:s9+s4], $0x80, v3, vm0, $0xb8;
	[tilespmem:$0x18800] =	vst v63  }
0x97: {  	v3 =	vld [tilespmem:s19+$0x420];
	_ =	sdelay $0x4  }
0x98: {  	v61 =	vshll.u32 v3, $0x3  }
0x99: {  	v3 =	vand.u32 $0x7, v3;
	v4 =	vand.u32 $0xFFFFFFC0, v61  }
0x9a: {  	v3 =	vor.u32 v3, v4  }
0x9b: {  	v4 =	vperm.xlane v3, v0;
	_ =	sdelay $0x1  }
0x9c: {  	v4 =	vadd.s32 v1, v4;
	_ =	sdelay $0x3  }
0x9d: {  	s20 =	rddreg [dreg:$0xd]  }
0x9e: {  	[tilespmem:s20], [sflag:$0x6] =	stream.indirect_vreg.gather [hbm4b:s3+s4], $0x80, v4, vm0, $0xb8;
	[tilespmem:$0x18800] =	vst v63  }
0x9f: {  	s21 =	rddreg [dreg:$0xe];
	v3 =	vperm.xlane v3, v2  }
0xa0: {  	[tilespmem:s21], [sflag:$0x6] =	stream.indirect_vreg.gather [hbm4b:s10+s4], $0x80, v4, vm0, $0xb8;
	[tilespmem:$0x18800] =	vst v63  }
0xa1: {  	v3 =	vadd.s32 v1, v3;
	s20 =	rddreg [dreg:$0xf]  }
0xa2: {  	[tilespmem:s20], [sflag:$0x6] =	stream.indirect_vreg.gather [hbm4b:s11+s4], $0x80, v4, vm0, $0xb8;
	[tilespmem:$0x18800] =	vst v63  }
0xa3: {  	s21 =	rddreg [dreg:$0x10]  }
0xa4: {  	[tilespmem:s21], [sflag:$0x6] =	stream.indirect_vreg.gather [hbm4b:s12+s4], $0x80, v4, vm0, $0xb8;
	[tilespmem:$0x18800] =	vst v63  }
0xa5: {  	s20 =	rddreg [dreg:$0x11]  }
0xa6: {  	[tilespmem:s20], [sflag:$0x6] =	stream.indirect_vreg.gather [hbm4b:s3+s4], $0x80, v3, vm0, $0xb8;
	[tilespmem:$0x18800] =	vst v63  }
0xa7: {  	s21 =	rddreg [dreg:$0x12]  }
0xa8: {  	[tilespmem:s21], [sflag:$0x6] =	stream.indirect_vreg.gather [hbm4b:s10+s4], $0x80, v3, vm0, $0xb8;
	[tilespmem:$0x18800] =	vst v63  }
0xa9: {  	s20 =	rddreg [dreg:$0x13]  }
0xaa: {  	[tilespmem:s20], [sflag:$0x6] =	stream.indirect_vreg.gather [hbm4b:s11+s4], $0x80, v3, vm0, $0xb8;
	[tilespmem:$0x18800] =	vst v63  }
0xab: {  	s21 =	rddreg [dreg:$0x14]  }
0xac: {  	[tilespmem:s21], [sflag:$0x6] =	stream.indirect_vreg.gather [hbm4b:s12+s4], $0x80, v3, vm0, $0xb8;
	[tilespmem:$0x18800] =	vst v63  }
0xad: {  	_ =	swait.ge [sflag:s5], $0x4000  }
0xae: {  	[sflag:s5] =	ssyncset.done $0x0  }
0xaf: {  	[sflag:s5] =	ssyncadd.s32 $0xFFFFC000  }
0xb0: {  	_ =	swait.ge [sflag:s6], $0x4000  }
0xb1: {  	[sflag:s6] =	ssyncset.done $0x0  }
0xb2: {  	[sflag:s6] =	ssyncadd.s32 $0xFFFFC000  }
0xb3: {  	v3 =	vld [tilespmem:s19+$0x30];
	_ =	sdelay $0x4  }
0xb4: {  	v62 =	vshll.u32 v3, $0x3  }
0xb5: {  	v3 =	vand.u32 $0x7, v3;
	v4 =	vand.u32 $0xFFFFFFC0, v62  }
0xb6: {  	v3 =	vor.u32 v3, v4  }
0xb7: {  	v4 =	vperm.xlane v3, v0;
	_ =	sdelay $0x1  }
0xb8: {  	v4 =	vadd.s32 v1, v4;
	_ =	sdelay $0x3  }
0xb9: {  	s21 =	simm.s32 $0x800  }
0xba: {  	[tilespmem:s21], [sflag:$0x1] =	stream.indirect_vreg.gather [hbm4b:s1+s4], $0x80, v4, vm0, $0xb8;
	[tilespmem:$0x18800] =	vst v63  }
0xbb: {  	v3 =	vperm.xlane v3, v2;
	s21 =	simm.s32 $0x1000  }
0xbc: {  	[tilespmem:s21], [sflag:$0x1] =	stream.indirect_vreg.gather [hbm4b:s7+s4], $0x80, v4, vm0, $0xb8;
	[tilespmem:$0x18800] =	vst v63  }
0xbd: {  	v3 =	vadd.s32 v1, v3;
	s21 =	simm.s32 $0x1800  }
0xbe: {  	[tilespmem:s21], [sflag:$0x1] =	stream.indirect_vreg.gather [hbm4b:s8+s4], $0x80, v4, vm0, $0xb8;
	[tilespmem:$0x18800] =	vst v63  }
0xbf: {  	s21 =	simm.s32 $0x2000  }
0xc0: {  	[tilespmem:s21], [sflag:$0x1] =	stream.indirect_vreg.gather [hbm4b:s9+s4], $0x80, v4, vm0, $0xb8;
	[tilespmem:$0x18800] =	vst v63  }
0xc1: {  	_ = 	snop  }
0xc2: {  	[tilespmem:s26], [sflag:$0x1] =	stream.indirect_vreg.gather [hbm4b:s1+s4], $0x80, v3, vm0, $0xb8;
	[tilespmem:$0x18800] =	vst v63  }
0xc3: {  	_ = 	snop  }
0xc4: {  	[tilespmem:s28], [sflag:$0x1] =	stream.indirect_vreg.gather [hbm4b:s7+s4], $0x80, v3, vm0, $0xb8;
	[tilespmem:$0x18800] =	vst v63  }
0xc5: {  	_ = 	snop  }
0xc6: {  	[tilespmem:s29], [sflag:$0x1] =	stream.indirect_vreg.gather [hbm4b:s8+s4], $0x80, v3, vm0, $0xb8;
	[tilespmem:$0x18800] =	vst v63  }
0xc7: {  	_ = 	snop  }
0xc8: {  	[tilespmem:s30], [sflag:$0x1] =	stream.indirect_vreg.gather [hbm4b:s9+s4], $0x80, v3, vm0, $0xb8;
	[tilespmem:$0x18800] =	vst v63  }
0xc9: {  	v3 =	vld [tilespmem:s19+$0x430];
	_ =	sdelay $0x4  }
0xca: {  	v63 =	vshll.u32 v3, $0x3  }
0xcb: {  	v3 =	vand.u32 $0x7, v3;
	v4 =	vand.u32 $0xFFFFFFC0, v63  }
0xcc: {  	v3 =	vor.u32 v3, v4  }
0xcd: {  	v4 =	vperm.xlane v3, v0;
	_ =	sdelay $0x1  }
0xce: {  	v4 =	vadd.s32 v1, v4;
	_ =	sdelay $0x4  }
0xcf: {  	[tilespmem:s31], [sflag:$0x4] =	stream.indirect_vreg.gather [hbm4b:s3+s4], $0x80, v4, vm0, $0xb8;
	[tilespmem:$0x18800] =	vst v63  }
0xd0: {  	v3 =	vperm.xlane v3, v2  }
0xd1: {  	[tilespmem:s0], [sflag:$0x4] =	stream.indirect_vreg.gather [hbm4b:s10+s4], $0x80, v4, vm0, $0xb8;
	[tilespmem:$0x18800] =	vst v63  }
0xd2: {  	v3 =	vadd.s32 v1, v3  }
0xd3: {  	[tilespmem:s2], [sflag:$0x4] =	stream.indirect_vreg.gather [hbm4b:s11+s4], $0x80, v4, vm0, $0xb8;
	[tilespmem:$0x18800] =	vst v63  }
0xd4: {  	_ = 	snop  }
0xd5: {  	[tilespmem:s17], [sflag:$0x4] =	stream.indirect_vreg.gather [hbm4b:s12+s4], $0x80, v4, vm0, $0xb8;
	[tilespmem:$0x18800] =	vst v63  }
0xd6: {  	_ = 	snop  }
0xd7: {  	[tilespmem:s22], [sflag:$0x4] =	stream.indirect_vreg.gather [hbm4b:s3+s4], $0x80, v3, vm0, $0xb8;
	[tilespmem:$0x18800] =	vst v63  }
0xd8: {  	_ = 	snop  }
0xd9: {  	[tilespmem:s23], [sflag:$0x4] =	stream.indirect_vreg.gather [hbm4b:s10+s4], $0x80, v3, vm0, $0xb8;
	[tilespmem:$0x18800] =	vst v63  }
0xda: {  	_ = 	snop  }
0xdb: {  	[tilespmem:s24], [sflag:$0x4] =	stream.indirect_vreg.gather [hbm4b:s11+s4], $0x80, v3, vm0, $0xb8;
	[tilespmem:$0x18800] =	vst v63  }
0xdc: {  	_ = 	snop  }
0xdd: {  	[tilespmem:s25], [sflag:$0x4] =	stream.indirect_vreg.gather [hbm4b:s12+s4], $0x80, v3, vm0, $0xb8;
	[tilespmem:$0x18800] =	vst v63  }
0xde: {  	_ =	swait.ge [sflag:s14], $0x4000  }
0xdf: {  	[sflag:s14] =	ssyncset.done $0x0  }
0xe0: {  	[sflag:s14] =	ssyncadd.s32 $0xFFFFC000  }
0xe1: {  	_ =	swait.ge [sflag:s13], $0x4000  }
0xe2: {  	p0 =	seq.s32 s18, $0xF00;
	[sflag:s13] =	ssyncset.done $0x0  }
0xe3: {  	s19 =	sshra.s32 @!p0 s18, $0x2;
	[sflag:s13] =	ssyncadd.s32 $0xFFFFC000  }
0xe4: {  	v3 =	vld @!p0 [tilespmem:s19+$0x40];
	_ =	sdelay $0x4  }
0xe5: {  	v4 =	vshll.u32 @!p0 v3, $0x3  }
0xe6: {  	v5 =	vlaneseq.u32 @!p0;
	v3 =	vand.u32 @!p0 $0x7, v3;
	v4 =	vand.u32 @!p0 $0xFFFFFFC0, v4  }
0xe7: {  	v6 =	vshrl.u32 @!p0 v5, $0x3;
	v3 =	vor.u32 @!p0 v3, v4;
	v4 =	vand.u32 @!p0 $0x7, v5  }
0xe8: {  	v6 =	vmul.u32 @!p0 $0x8, v6;
	v7 =	vperm.xlane @!p0 v3, v4;
	_ =	sdelay $0x1  }
0xe9: {  	v7 =	vadd.s32 @!p0 v6, v7;
	_ =	sdelay $0x3  }
0xea: {  	vm1 =	vmmov @!p0 $0xffff;
	s20 =	simm.s32 @!p0 $0x0;
	s21 =	simm.s32 @!p0 $0x4800  }
0xeb: {  	v5 =	vor.u32 @!p0 $0x8, v5;
	[tilespmem:s21], [sflag:$0x2] =	stream.indirect_vreg.gather @!p0 [hbm4b:s1+s20], $0x80, v7, vm1, $0xb8;
	[tilespmem:$0x18800] =	vst v63  }
0xec: {  	v3 =	vperm.xlane @!p0 v3, v5;
	s21 =	simm.s32 @!p0 $0x5000  }
0xed: {  	[tilespmem:s21], [sflag:$0x2] =	stream.indirect_vreg.gather @!p0 [hbm4b:s7+s20], $0x80, v7, vm1, $0xb8;
	[tilespmem:$0x18800] =	vst v63  }
0xee: {  	v3 =	vadd.s32 @!p0 v6, v3;
	s21 =	simm.s32 @!p0 $0x5800  }
0xef: {  	[tilespmem:s21], [sflag:$0x2] =	stream.indirect_vreg.gather @!p0 [hbm4b:s8+s20], $0x80, v7, vm1, $0xb8;
	[tilespmem:$0x18800] =	vst v63  }
0xf0: {  	s21 =	simm.s32 @!p0 $0x6000  }
0xf1: {  	[tilespmem:s21], [sflag:$0x2] =	stream.indirect_vreg.gather @!p0 [hbm4b:s9+s20], $0x80, v7, vm1, $0xb8;
	[tilespmem:$0x18800] =	vst v63  }
0xf2: {  	s21 =	simm.s32 @!p0 $0x6800  }
0xf3: {  	[tilespmem:s21], [sflag:$0x2] =	stream.indirect_vreg.gather @!p0 [hbm4b:s1+s20], $0x80, v3, vm1, $0xb8;
	[tilespmem:$0x18800] =	vst v63  }
0xf4: {  	s21 =	simm.s32 @!p0 $0x7000  }
0xf5: {  	[tilespmem:s21], [sflag:$0x2] =	stream.indirect_vreg.gather @!p0 [hbm4b:s7+s20], $0x80, v3, vm1, $0xb8;
	[tilespmem:$0x18800] =	vst v63  }
0xf6: {  	s21 =	simm.s32 @!p0 $0x7800  }
0xf7: {  	[tilespmem:s21], [sflag:$0x2] =	stream.indirect_vreg.gather @!p0 [hbm4b:s8+s20], $0x80, v3, vm1, $0xb8;
	[tilespmem:$0x18800] =	vst v63  }
0xf8: {  	s21 =	simm.s32 @!p0 $0x8000  }
0xf9: {  	[tilespmem:s21], [sflag:$0x2] =	stream.indirect_vreg.gather @!p0 [hbm4b:s9+s20], $0x80, v3, vm1, $0xb8;
	[tilespmem:$0x18800] =	vst v63  }
0xfa: {  	v3 =	vld @!p0 [tilespmem:s19+$0x440];
	_ =	sdelay $0x4  }
0xfb: {  	v7 =	vshll.u32 @!p0 v3, $0x3  }
0xfc: {  	v3 =	vand.u32 @!p0 $0x7, v3;
	v7 =	vand.u32 @!p0 $0xFFFFFFC0, v7  }
0xfd: {  	v3 =	vor.u32 @!p0 v3, v7  }
0xfe: {  	v4 =	vperm.xlane @!p0 v3, v4;
	_ =	sdelay $0x1  }
0xff: {  	v4 =	vadd.s32 @!p0 v6, v4;
	_ =	sdelay $0x3  }
0x100: {  	s19 =	simm.s32 @!p0 $0x10800  }
0x101: {  	[tilespmem:s19], [sflag:$0x5] =	stream.indirect_vreg.gather @!p0 [hbm4b:s3+s20], $0x80, v4, vm1, $0xb8;
	[tilespmem:$0x18800] =	vst v63  }
0x102: {  	v3 =	vperm.xlane @!p0 v3, v5;
	s19 =	simm.s32 @!p0 $0x11000  }
0x103: {  	[tilespmem:s19], [sflag:$0x5] =	stream.indirect_vreg.gather @!p0 [hbm4b:s10+s20], $0x80, v4, vm1, $0xb8;
	[tilespmem:$0x18800] =	vst v63  }
0x104: {  	v3 =	vadd.s32 @!p0 v6, v3;
	s19 =	simm.s32 @!p0 $0x11800  }
0x105: {  	[tilespmem:s19], [sflag:$0x5] =	stream.indirect_vreg.gather @!p0 [hbm4b:s11+s20], $0x80, v4, vm1, $0xb8;
	[tilespmem:$0x18800] =	vst v63  }
0x106: {  	s19 =	simm.s32 @!p0 $0x12000  }
0x107: {  	[tilespmem:s19], [sflag:$0x5] =	stream.indirect_vreg.gather @!p0 [hbm4b:s12+s20], $0x80, v4, vm1, $0xb8;
	[tilespmem:$0x18800] =	vst v63  }
0x108: {  	s19 =	simm.s32 @!p0 $0x12800  }
0x109: {  	[tilespmem:s19], [sflag:$0x5] =	stream.indirect_vreg.gather @!p0 [hbm4b:s3+s20], $0x80, v3, vm1, $0xb8;
	[tilespmem:$0x18800] =	vst v63  }
0x10a: {  	s19 =	simm.s32 @!p0 $0x13000  }
0x10b: {  	[tilespmem:s19], [sflag:$0x5] =	stream.indirect_vreg.gather @!p0 [hbm4b:s10+s20], $0x80, v3, vm1, $0xb8;
	[tilespmem:$0x18800] =	vst v63  }
0x10c: {  	s19 =	simm.s32 @!p0 $0x13800  }
0x10d: {  	[tilespmem:s19], [sflag:$0x5] =	stream.indirect_vreg.gather @!p0 [hbm4b:s11+s20], $0x80, v3, vm1, $0xb8;
	[tilespmem:$0x18800] =	vst v63  }
0x10e: {  	s18 =	sadd.s32 $0xC0, s18;
	s19 =	simm.s32 @!p0 $0x14000  }
0x10f: {  	[tilespmem:s19], [sflag:$0x5] =	stream.indirect_vreg.gather @!p0 [hbm4b:s12+s20], $0x80, v3, vm1, $0xb8;
	[tilespmem:$0x18800] =	vst v63  }
0x110: {  	p0 =	sne.s32 s18, $0xFC0;
	_ =	swait.ge [sflag:s15], $0x4000  }
.Ltmp0:
0x111: {  	[sflag:s15] =	ssyncset.done $0x0;
	(pc) =	sbr.rel @p0 .LBB2_2-.Ltmp0, $4  }
0x112: {  	[sflag:s15] =	ssyncadd.s32 $0xFFFFC000  }
0x113: {  	_ =	swait.ge [sflag:s16], $0x4000  }
0x114: {  	[sflag:s16] =	ssyncset.done $0x0  }
0x115: {  	[sflag:s16] =	ssyncadd.s32 $0xFFFFC000  }
0x116: {  	_ =	swait.ge [sflag:s5], $0x4000  }
0x117: {  	[sflag:s5] =	ssyncset.done $0x0  }
0x118: {  	[sflag:s5] =	ssyncadd.s32 $0xFFFFC000  }
0x119: {  	_ =	swait.ge [sflag:s6], $0x4000  }
0x11a: {  	s0 =	rddreg [dreg:$0x18]  }
0x11b: {  	s18 =	rddreg [dreg:$0x17];
	s0 =	sadd.s32 $0x1, s0  }
0x11c: {  	p0 =	sne.s32 s0, s18  }
.Ltmp1:
0x11d: {  	_ = 	snop;
	(pc) =	sbr.rel @p0 .LBB2_1-.Ltmp1, $3  }
0x11e: {  	_ =	sdelay $0x1  }
0x11f: {  	[sflag:s6] =	ssyncset.done $0x0  }
0x120: {  	[sflag:s6] =	ssyncadd.s32 $0xFFFFC000  }
0x121: {  	_ =	sfence.sel $0x180000  }
0x122: {  	[bflag:$0x0] =	sbarrier.arrive $0xFFFF  }
0x123: {  	_ =	strace $0x90000047  }
0x124: {  	s0 =	stileid.u32;
	[bflag:$0x2] =	sbarrier.arrive $0xFFFF  }
0x125: {  	p0 =	sne.s32 s0, $0x0;
	s0 =	rddreg [dreg:$0x4]  }
0x126: {  	s0 =	sadd.s32 @!p0 $0x100000, s0  }
0x127: {  	[sflag:s0] =	ssyncadd.tile.s32 @!p0 $0x1;
	_ =	shalt  }
.Lfunc_end2:
_tile_overlayer_lowered:
.L_overlay_start_2:
0x128: {  	(tag) =	ssettag $0x2  }
0x129: {  	s0 =	rddreg [dreg:$0x0];
	s2 =	stileid.u32  }
0x12a: {  	s1 =	rddreg [dreg:$0x1];
	p0 =	sne.s32 s2, $0x0  }
0x12b: {  	s3 =	rddreg [dreg:$0x2];
	[bflag:$0x3] =	sbarrier.arrive $0xFFFF;
	s2 =	simm.s32 @!p0 $0x1C07  }
0x12c: {  	[timem:s3], [sflag:s2] =	dma.local @!p0 [hbm:s0], s1  }
0x12d: {  	s0 =	simm.s32 @!p0 $0x7  }
0x12e: {  	_ =	swait.ge @!p0 [sflag:s0], s1  }
0x12f: {  	s1 =	ssub.s32 @!p0 $0x0, s1;
	[sflag:s0] =	ssyncset.done @!p0 $0x0  }
0x130: {  	[sflag:s0] =	ssyncadd.s32 @!p0 s1  }
0x131: {  	[bflag:$0x3] =	sbarrier.arrive $0xFFFF  }
0x132: {  	_ =	shalt  }

</sc_bundles>
